<compile_context>
chip_gen: v7x
topology: tpu7x:2x2x1
jax: 0.10.2.dev20260603
libtpu: 0.0.44.dev20260713+nightly
codegen_flags: <defaults>
</compile_context>

<pallas_src>
import functools

import jax
import jax.numpy as jnp
from jax import lax
from jax.experimental import pallas as pl
from jax.experimental.pallas import tpu as pltpu
from jax.experimental.pallas import tpu_sc as plsc

NC = 2
NS = 16
CH = 128


def _sc_gather_body(nchunks, k_sample, s_base_nodes, s_base_nidx,
                    feat_hbm, nodes_hbm, nidx_hbm, self_out, nsum_out,
                    sidx_all, nidx_all, rows_a, acc_a, rows_b, acc_b,
                    sem_i, sem_na, sem_nb, sem_sa, sem_sb):
    wid = lax.axis_index("s") * NC + lax.axis_index("c")
    half = nchunks * CH
    w_base = wid * half
    cpi = pltpu.async_copy(
        nidx_hbm.at[pl.ds(0, k_sample), pl.ds(s_base_nidx + w_base, half)],
        nidx_all, sem_i)
    cps = pltpu.async_copy(
        nodes_hbm.at[pl.ds(s_base_nodes + w_base, half)], sidx_all, sem_i)
    cpi.wait()
    cps.wait()
    bufs = ((rows_a, acc_a, sem_na, sem_sa),
            (rows_b, acc_b, sem_nb, sem_sb))

    def pair(c, carry):
        inits, gather_state = [], []
        for i, (rows, acc, sem_n, sem_s) in enumerate(bufs):
            coff = (2 * c + i) * CH
            inits.append((
                pltpu.async_copy(
                    feat_hbm.at[nidx_all.at[0, pl.ds(coff, CH)]], acc,
                    sem_n),
                pltpu.async_copy(
                    feat_hbm.at[sidx_all.at[pl.ds(coff, CH)]], rows,
                    sem_s)))
        for i, (rows, acc, sem_n, sem_s) in enumerate(bufs):
            coff = (2 * c + i) * CH
            init, cp_s = inits[i]
            init.wait()
            adds = [pltpu.async_copy(
                        feat_hbm.at[nidx_all.at[k, pl.ds(coff, CH)]],
                        acc, sem_n, add=True)
                    for k in range(1, k_sample)]
            gather_state.append((cp_s, adds))
        for i, (rows, acc, sem_n, sem_s) in enumerate(bufs):
            coff = (2 * c + i) * CH
            cp_s, adds = gather_state[i]
            cp_s.wait()
            pltpu.sync_copy(rows, self_out.at[pl.ds(w_base + coff, CH)])
            for cp in adds:
                cp.wait()
            pltpu.sync_copy(acc, nsum_out.at[pl.ds(w_base + coff, CH)])
        return carry

    lax.fori_loop(0, nchunks // 2, pair, 0, unroll=False)


def _tc_body(s_ref, n_ref, w1_ref, w2_ref, wt_ref, o_ref, *, inv_k):
    h = (jnp.dot(s_ref[...], w1_ref[...])
         + jnp.dot(n_ref[...] * inv_k, w2_ref[...]))
    h = jnp.maximum(h, 0.0)
    o_ref[...] = jnp.dot(h, wt_ref[...])


def kernel(feat, W_agg, weight, nodes, labels, neigh_idx):
    del labels
    B = nodes.shape[0]
    K = neigh_idx.shape[1]
    D = feat.shape[1]
    C = weight.shape[0]
    NW = NC * NS
    NSPLIT = 1
    BS = B // NSPLIT
    assert BS % (NW * CH) == 0
    nchunks = BS // (NW * CH)

    mesh = plsc.VectorSubcoreMesh(
        core_axis_name="c", subcore_axis_name="s",
        num_cores=NC, num_subcores=NS)

    def make_sc(s_base_nodes, s_base_nidx):
        return pl.kernel(
            functools.partial(_sc_gather_body, nchunks, K, s_base_nodes,
                              s_base_nidx),
            out_type=(jax.ShapeDtypeStruct((BS, D), jnp.float32),
                      jax.ShapeDtypeStruct((BS, D), jnp.float32)),
            mesh=mesh,
            scratch_types=(
                [pltpu.VMEM((BS // NW,), jnp.int32),
                 pltpu.VMEM((K, BS // NW), jnp.int32)]
                + [pltpu.VMEM((CH, D), jnp.float32)] * 4
                + [pltpu.SemaphoreType.DMA] * 5),
        )

    CP = C
    w1 = W_agg[:D]
    w2 = W_agg[D:]
    wt = weight.T
    bm = 8192
    tc_dense = pl.pallas_call(
        functools.partial(_tc_body, inv_k=1.0 / K),
        grid=(BS // bm,),
        in_specs=[
            pl.BlockSpec((bm, D), lambda i: (i, 0)),
            pl.BlockSpec((bm, D), lambda i: (i, 0)),
            pl.BlockSpec((D, D), lambda i: (0, 0)),
            pl.BlockSpec((D, D), lambda i: (0, 0)),
            pl.BlockSpec((D, CP), lambda i: (0, 0)),
        ],
        out_specs=pl.BlockSpec((bm, CP), lambda i: (i, 0)),
        out_shape=jax.ShapeDtypeStruct((BS, CP), jnp.float32),
    )
    nidx_t = neigh_idx.T
    outs = []
    for s in range(NSPLIT):
        self_f, nsum = make_sc(s * BS, s * BS)(feat, nodes, nidx_t)
        outs.append(tc_dense(self_f, nsum, w1, w2, wt))
    return jnp.concatenate(outs, axis=0) if NSPLIT > 1 else outs[0]

# --- scband reference (transcript-rebuilt; emitter-appended) ---
"""Pipeline reference for scband-gdnlayer-19129784336777 (READ-ONLY COPY).

The authoritative reference and input builder live on the scoring server;
editing this copy changes nothing except your own understanding.
"""

import jax, jax.numpy as jnp
import numpy as np

N_NODES = 100000
BATCH = 32768
D_FEAT = 128
NUM_SAMPLE = 16
NUM_CLASSES = 2


def setup_inputs(seed: int = 0) -> dict:
    key = jax.random.key(seed)
    k0, k1, k2, k3, k4, k5 = jax.random.split(key, 6)
    feat = jax.random.normal(k0, (N_NODES, D_FEAT), dtype=jnp.float32) * 0.1
    W_agg = jax.random.normal(k1, (2 * D_FEAT, D_FEAT), dtype=jnp.float32) * (1.0 / np.sqrt(2 * D_FEAT))
    weight = jax.random.normal(k2, (NUM_CLASSES, D_FEAT), dtype=jnp.float32) * (1.0 / np.sqrt(D_FEAT))
    nodes = jax.random.randint(k3, (BATCH,), 0, N_NODES, dtype=jnp.int32)
    labels = jax.random.randint(k4, (BATCH,), 0, NUM_CLASSES, dtype=jnp.int32)
    neigh_idx = jax.random.randint(k5, (BATCH, NUM_SAMPLE), 0, N_NODES, dtype=jnp.int32)
    return {
        'feat': feat,
        'W_agg': W_agg,
        'weight': weight,
        'nodes': nodes,
        'labels': labels,
        'neigh_idx': neigh_idx,
    }


def reference(feat, W_agg, weight, nodes, labels, neigh_idx):
    # inter1: GraphSAGE-style inter-relation mean aggregator producing
    # embeds1 with shape [embed_dim, batch] (as GDN's inter1 returns).
    self_f = jnp.take(feat, nodes, axis=0)                  # [B, D] gather
    neigh_f = jnp.take(feat, neigh_idx, axis=0)             # [B, K, D] gather
    neigh_mean = jnp.mean(neigh_f, axis=1)                  # [B, D]
    combined = jnp.concatenate([self_f, neigh_mean], axis=-1)  # [B, 2D]
    h = jax.nn.relu(combined @ W_agg)                       # [B, embed_dim]
    embeds1 = h.T                                           # [embed_dim, B]
    # GDNLayer.forward: scores = self.weight.mm(embeds1); return scores.t()
    scores = weight @ embeds1                               # [C, B]
    return scores.T                                         # [B, C]

if __name__ == "__main__":
    import jax
    _d = setup_inputs()
    print(jax.jit(kernel)(*tuple(_d.values())))

</pallas_src>

<mosaic_0001>
#map = affine_map<(d0, d1) -> (0, 0)>
#map1 = affine_map<(d0, d1) -> (0)>
module attributes {stable_mosaic.version = 14 : i64} {
  func.func @_sc_gather_body(%arg0: i32, %arg1: i32, %arg2: memref<100000x128xf32, #tpu.memory_space<hbm>>, %arg3: memref<32768xi32, #tpu.memory_space<hbm>>, %arg4: memref<16x32768xi32, #tpu.memory_space<hbm>>, %arg5: memref<32768x128xf32, #tpu.memory_space<hbm>>, %arg6: memref<32768x128xf32, #tpu.memory_space<hbm>>, %arg7: memref<1024xi32, #tpu.memory_space<vmem>>, %arg8: memref<16x1024xi32, #tpu.memory_space<vmem>>, %arg9: memref<128x128xf32, #tpu.memory_space<vmem>>, %arg10: memref<128x128xf32, #tpu.memory_space<vmem>>, %arg11: memref<128x128xf32, #tpu.memory_space<vmem>>, %arg12: memref<128x128xf32, #tpu.memory_space<vmem>>, %arg13: memref<!tpu.dma_semaphore, #tpu.memory_space<semaphore_mem>>, %arg14: memref<!tpu.dma_semaphore, #tpu.memory_space<semaphore_mem>>, %arg15: memref<!tpu.dma_semaphore, #tpu.memory_space<semaphore_mem>>, %arg16: memref<!tpu.dma_semaphore, #tpu.memory_space<semaphore_mem>>, %arg17: memref<!tpu.dma_semaphore, #tpu.memory_space<semaphore_mem>>) attributes {dimension_semantics = [#tpu.dimension_semantics<core_parallel>, #tpu.dimension_semantics<subcore_parallel>], iteration_bounds = array<i64: 2, 16>, scalar_prefetch = 0 : i64, scratch_operands = 11 : i64, tpu.core_type = #tpu.core_type<sc_vector_subcore>, window_params = [{transform_indices = #map}, {transform_indices = #map1}, {transform_indices = #map}, {transform_indices = #map}, {transform_indices = #map}]} {
    %mul3A = arith.constant 2 : i32
    %mul3A_0 = arith.muli %arg1, %mul3A : i32
    %add3A = arith.addi %mul3A_0, %arg0 : i32
    %mul3A_1 = arith.constant 1024 : i32
    %mul3A_2 = arith.muli %add3A, %mul3A_1 : i32
    %add3A_3 = arith.constant 0 : i32
    %add3A_4 = arith.addi %add3A_3, %mul3A_2 : i32
    %dma_start3A = arith.constant 0 : i32
    %dma_start3A_5 = tpu.memref_slice %arg4[%dma_start3A, %add3A_4] : memref<16x32768xi32, #tpu.memory_space<hbm>> -> memref<16x1024xi32, #tpu.memory_space<hbm>>
    %dma_start3A_6 = arith.constant 0 : i32
    %dma_start3A_7 = tpu.memref_slice %arg4[%dma_start3A_6, %add3A_4] : memref<16x32768xi32, #tpu.memory_space<hbm>> -> memref<16x1024xi32, #tpu.memory_space<hbm>>
    tpu.enqueue_dma source(%dma_start3A_7 : memref<16x1024xi32, #tpu.memory_space<hbm>>) target(%arg8 : memref<16x1024xi32, #tpu.memory_space<vmem>>) target_semaphore(%arg13 : memref<!tpu.dma_semaphore, #tpu.memory_space<semaphore_mem>>)
    %add3A_8 = arith.constant 0 : i32
    %add3A_9 = arith.addi %add3A_8, %mul3A_2 : i32
    %dma_start3A_10 = tpu.memref_slice %arg3[%add3A_9] : memref<32768xi32, #tpu.memory_space<hbm>> -> memref<1024xi32, #tpu.memory_space<hbm>>
    %dma_start3A_11 = tpu.memref_slice %arg3[%add3A_9] : memref<32768xi32, #tpu.memory_space<hbm>> -> memref<1024xi32, #tpu.memory_space<hbm>>
    tpu.enqueue_dma source(%dma_start3A_11 : memref<1024xi32, #tpu.memory_space<hbm>>) target(%arg7 : memref<1024xi32, #tpu.memory_space<vmem>>) target_semaphore(%arg13 : memref<!tpu.dma_semaphore, #tpu.memory_space<semaphore_mem>>)
    %dma_wait3A = arith.constant 0 : i32
    %dma_wait3A_12 = tpu.memref_slice %arg4[%dma_wait3A, %add3A_4] : memref<16x32768xi32, #tpu.memory_space<hbm>> -> memref<16x1024xi32, #tpu.memory_space<hbm>>
    %dma_wait3A_13 = arith.constant 0 : i32
    %dma_wait3A_14 = tpu.memref_slice %arg4[%dma_wait3A_13, %add3A_4] : memref<16x32768xi32, #tpu.memory_space<hbm>> -> memref<16x1024xi32, #tpu.memory_space<hbm>>
    tpu.wait_dma2 semaphore(%arg13 : memref<!tpu.dma_semaphore, #tpu.memory_space<semaphore_mem>>) src(%dma_wait3A_14 : memref<16x1024xi32, #tpu.memory_space<hbm>>) dst(%arg8 : memref<16x1024xi32, #tpu.memory_space<vmem>>)
    %dma_wait3A_15 = tpu.memref_slice %arg3[%add3A_9] : memref<32768xi32, #tpu.memory_space<hbm>> -> memref<1024xi32, #tpu.memory_space<hbm>>
    %dma_wait3A_16 = tpu.memref_slice %arg3[%add3A_9] : memref<32768xi32, #tpu.memory_space<hbm>> -> memref<1024xi32, #tpu.memory_space<hbm>>
    tpu.wait_dma2 semaphore(%arg13 : memref<!tpu.dma_semaphore, #tpu.memory_space<semaphore_mem>>) src(%dma_wait3A_16 : memref<1024xi32, #tpu.memory_space<hbm>>) dst(%arg7 : memref<1024xi32, #tpu.memory_space<vmem>>)
    %scan3A = arith.constant 0 : i32
    %scan3A_17 = arith.constant 0 : i32
    %scan3A_18 = arith.constant 4 : i32
    %scan3A_19 = arith.addi %scan3A_17, %scan3A_18 : i32
    %scan3A_20 = arith.constant 1 : i32
    scf.for %scan3A_22 = %scan3A_17 to %scan3A_19 step %scan3A_20  : i32 {
      %mul3A_23 = arith.constant 2 : i32
      %mul3A_24 = arith.muli %mul3A_23, %scan3A_22 : i32
      %add3A_25 = arith.constant 0 : i32
      %add3A_26 = arith.addi %mul3A_24, %add3A_25 : i32
      %mul3A_27 = arith.constant 128 : i32
      %mul3A_28 = arith.muli %add3A_26, %mul3A_27 : i32
      %dma_start3A_29 = arith.constant 0 : i32
      %dma_start3A_30 = tpu.memref_slice %arg8[%dma_start3A_29, %mul3A_28] : memref<16x1024xi32, #tpu.memory_space<vmem>> -> memref<1x128xi32, #tpu.memory_space<vmem>>
      %dma_start3A_31 = tpu.memref_squeeze %dma_start3A_30 : memref<1x128xi32, #tpu.memory_space<vmem>> -> memref<128xi32, #tpu.memory_space<vmem>>
      %dma_start3A_32 = arith.constant 0 : i32
      %dma_start3A_33 = arith.constant 0 : i32
      %dma_start3A_34 = tpu.memref_slice %arg2[%dma_start3A_32, %dma_start3A_33] : memref<100000x128xf32, #tpu.memory_space<hbm>> -> memref<100000x128xf32, #tpu.memory_space<hbm>>
      tpu.enqueue_indirect_dma source(%dma_start3A_34 : memref<100000x128xf32, #tpu.memory_space<hbm>>) target(%arg10 : memref<128x128xf32, #tpu.memory_space<vmem>>) offsets(%dma_start3A_31 : memref<128xi32, #tpu.memory_space<vmem>>) semaphore(%arg14 : memref<!tpu.dma_semaphore, #tpu.memory_space<semaphore_mem>>)
      %dma_start3A_35 = tpu.memref_slice %arg7[%mul3A_28] : memref<1024xi32, #tpu.memory_space<vmem>> -> memref<128xi32, #tpu.memory_space<vmem>>
      %dma_start3A_36 = arith.constant 0 : i32
      %dma_start3A_37 = arith.constant 0 : i32
      %dma_start3A_38 = tpu.memref_slice %arg2[%dma_start3A_36, %dma_start3A_37] : memref<100000x128xf32, #tpu.memory_space<hbm>> -> memref<100000x128xf32, #tpu.memory_space<hbm>>
      tpu.enqueue_indirect_dma source(%dma_start3A_38 : memref<100000x128xf32, #tpu.memory_space<hbm>>) target(%arg9 : memref<128x128xf32, #tpu.memory_space<vmem>>) offsets(%dma_start3A_35 : memref<128xi32, #tpu.memory_space<vmem>>) semaphore(%arg16 : memref<!tpu.dma_semaphore, #tpu.memory_space<semaphore_mem>>)
      %mul3A_39 = arith.constant 2 : i32
      %mul3A_40 = arith.muli %mul3A_39, %scan3A_22 : i32
      %add3A_41 = arith.constant 1 : i32
      %add3A_42 = arith.addi %mul3A_40, %add3A_41 : i32
      %mul3A_43 = arith.constant 128 : i32
      %mul3A_44 = arith.muli %add3A_42, %mul3A_43 : i32
      %dma_start3A_45 = arith.constant 0 : i32
      %dma_start3A_46 = tpu.memref_slice %arg8[%dma_start3A_45, %mul3A_44] : memref<16x1024xi32, #tpu.memory_space<vmem>> -> memref<1x128xi32, #tpu.memory_space<vmem>>
      %dma_start3A_47 = tpu.memref_squeeze %dma_start3A_46 : memref<1x128xi32, #tpu.memory_space<vmem>> -> memref<128xi32, #tpu.memory_space<vmem>>
      %dma_start3A_48 = arith.constant 0 : i32
      %dma_start3A_49 = arith.constant 0 : i32
      %dma_start3A_50 = tpu.memref_slice %arg2[%dma_start3A_48, %dma_start3A_49] : memref<100000x128xf32, #tpu.memory_space<hbm>> -> memref<100000x128xf32, #tpu.memory_space<hbm>>
      tpu.enqueue_indirect_dma source(%dma_start3A_50 : memref<100000x128xf32, #tpu.memory_space<hbm>>) target(%arg12 : memref<128x128xf32, #tpu.memory_space<vmem>>) offsets(%dma_start3A_47 : memref<128xi32, #tpu.memory_space<vmem>>) semaphore(%arg15 : memref<!tpu.dma_semaphore, #tpu.memory_space<semaphore_mem>>)
      %dma_start3A_51 = tpu.memref_slice %arg7[%mul3A_44] : memref<1024xi32, #tpu.memory_space<vmem>> -> memref<128xi32, #tpu.memory_space<vmem>>
      %dma_start3A_52 = arith.constant 0 : i32
      %dma_start3A_53 = arith.constant 0 : i32
      %dma_start3A_54 = tpu.memref_slice %arg2[%dma_start3A_52, %dma_start3A_53] : memref<100000x128xf32, #tpu.memory_space<hbm>> -> memref<100000x128xf32, #tpu.memory_space<hbm>>
      tpu.enqueue_indirect_dma source(%dma_start3A_54 : memref<100000x128xf32, #tpu.memory_space<hbm>>) target(%arg11 : memref<128x128xf32, #tpu.memory_space<vmem>>) offsets(%dma_start3A_51 : memref<128xi32, #tpu.memory_space<vmem>>) semaphore(%arg17 : memref<!tpu.dma_semaphore, #tpu.memory_space<semaphore_mem>>)
      %mul3A_55 = arith.constant 2 : i32
      %mul3A_56 = arith.muli %mul3A_55, %scan3A_22 : i32
      %add3A_57 = arith.constant 0 : i32
      %add3A_58 = arith.addi %mul3A_56, %add3A_57 : i32
      %mul3A_59 = arith.constant 128 : i32
      %mul3A_60 = arith.muli %add3A_58, %mul3A_59 : i32
      %dma_wait3A_61 = arith.constant 0 : i32
      %dma_wait3A_62 = tpu.memref_slice %arg8[%dma_wait3A_61, %mul3A_28] : memref<16x1024xi32, #tpu.memory_space<vmem>> -> memref<1x128xi32, #tpu.memory_space<vmem>>
      %dma_wait3A_63 = tpu.memref_squeeze %dma_wait3A_62 : memref<1x128xi32, #tpu.memory_space<vmem>> -> memref<128xi32, #tpu.memory_space<vmem>>
      %dma_wait3A_64 = arith.constant 0 : i32
      %dma_wait3A_65 = arith.constant 0 : i32
      %dma_wait3A_66 = tpu.memref_slice %arg2[%dma_wait3A_64, %dma_wait3A_65] : memref<100000x128xf32, #tpu.memory_space<hbm>> -> memref<100000x128xf32, #tpu.memory_space<hbm>>
      tpu.wait_indirect_dma semaphore(%arg14 : memref<!tpu.dma_semaphore, #tpu.memory_space<semaphore_mem>>) src(%dma_wait3A_66 : memref<100000x128xf32, #tpu.memory_space<hbm>>) dst(%arg10 : memref<128x128xf32, #tpu.memory_space<vmem>>)
      %dma_start3A_67 = arith.constant 1 : i32
      %dma_start3A_68 = tpu.memref_slice %arg8[%dma_start3A_67, %mul3A_60] : memref<16x1024xi32, #tpu.memory_space<vmem>> -> memref<1x128xi32, #tpu.memory_space<vmem>>
      %dma_start3A_69 = tpu.memref_squeeze %dma_start3A_68 : memref<1x128xi32, #tpu.memory_space<vmem>> -> memref<128xi32, #tpu.memory_space<vmem>>
      %dma_start3A_70 = arith.constant 0 : i32
      %dma_start3A_71 = arith.constant 0 : i32
      %dma_start3A_72 = tpu.memref_slice %arg2[%dma_start3A_70, %dma_start3A_71] : memref<100000x128xf32, #tpu.memory_space<hbm>> -> memref<100000x128xf32, #tpu.memory_space<hbm>>
      tpu.enqueue_indirect_dma source(%dma_start3A_72 : memref<100000x128xf32, #tpu.memory_space<hbm>>) target(%arg10 : memref<128x128xf32, #tpu.memory_space<vmem>>) offsets(%dma_start3A_69 : memref<128xi32, #tpu.memory_space<vmem>>) semaphore(%arg14 : memref<!tpu.dma_semaphore, #tpu.memory_space<semaphore_mem>>) {add = true}
      %dma_start3A_73 = arith.constant 2 : i32
      %dma_start3A_74 = tpu.memref_slice %arg8[%dma_start3A_73, %mul3A_60] : memref<16x1024xi32, #tpu.memory_space<vmem>> -> memref<1x128xi32, #tpu.memory_space<vmem>>
      %dma_start3A_75 = tpu.memref_squeeze %dma_start3A_74 : memref<1x128xi32, #tpu.memory_space<vmem>> -> memref<128xi32, #tpu.memory_space<vmem>>
      %dma_start3A_76 = arith.constant 0 : i32
      %dma_start3A_77 = arith.constant 0 : i32
      %dma_start3A_78 = tpu.memref_slice %arg2[%dma_start3A_76, %dma_start3A_77] : memref<100000x128xf32, #tpu.memory_space<hbm>> -> memref<100000x128xf32, #tpu.memory_space<hbm>>
      tpu.enqueue_indirect_dma source(%dma_start3A_78 : memref<100000x128xf32, #tpu.memory_space<hbm>>) target(%arg10 : memref<128x128xf32, #tpu.memory_space<vmem>>) offsets(%dma_start3A_75 : memref<128xi32, #tpu.memory_space<vmem>>) semaphore(%arg14 : memref<!tpu.dma_semaphore, #tpu.memory_space<semaphore_mem>>) {add = true}
      %dma_start3A_79 = arith.constant 3 : i32
      %dma_start3A_80 = tpu.memref_slice %arg8[%dma_start3A_79, %mul3A_60] : memref<16x1024xi32, #tpu.memory_space<vmem>> -> memref<1x128xi32, #tpu.memory_space<vmem>>
      %dma_start3A_81 = tpu.memref_squeeze %dma_start3A_80 : memref<1x128xi32, #tpu.memory_space<vmem>> -> memref<128xi32, #tpu.memory_space<vmem>>
      %dma_start3A_82 = arith.constant 0 : i32
      %dma_start3A_83 = arith.constant 0 : i32
      %dma_start3A_84 = tpu.memref_slice %arg2[%dma_start3A_82, %dma_start3A_83] : memref<100000x128xf32, #tpu.memory_space<hbm>> -> memref<100000x128xf32, #tpu.memory_space<hbm>>
      tpu.enqueue_indirect_dma source(%dma_start3A_84 : memref<100000x128xf32, #tpu.memory_space<hbm>>) target(%arg10 : memref<128x128xf32, #tpu.memory_space<vmem>>) offsets(%dma_start3A_81 : memref<128xi32, #tpu.memory_space<vmem>>) semaphore(%arg14 : memref<!tpu.dma_semaphore, #tpu.memory_space<semaphore_mem>>) {add = true}
      %dma_start3A_85 = arith.constant 4 : i32
      %dma_start3A_86 = tpu.memref_slice %arg8[%dma_start3A_85, %mul3A_60] : memref<16x1024xi32, #tpu.memory_space<vmem>> -> memref<1x128xi32, #tpu.memory_space<vmem>>
      %dma_start3A_87 = tpu.memref_squeeze %dma_start3A_86 : memref<1x128xi32, #tpu.memory_space<vmem>> -> memref<128xi32, #tpu.memory_space<vmem>>
      %dma_start3A_88 = arith.constant 0 : i32
      %dma_start3A_89 = arith.constant 0 : i32
      %dma_start3A_90 = tpu.memref_slice %arg2[%dma_start3A_88, %dma_start3A_89] : memref<100000x128xf32, #tpu.memory_space<hbm>> -> memref<100000x128xf32, #tpu.memory_space<hbm>>
      tpu.enqueue_indirect_dma source(%dma_start3A_90 : memref<100000x128xf32, #tpu.memory_space<hbm>>) target(%arg10 : memref<128x128xf32, #tpu.memory_space<vmem>>) offsets(%dma_start3A_87 : memref<128xi32, #tpu.memory_space<vmem>>) semaphore(%arg14 : memref<!tpu.dma_semaphore, #tpu.memory_space<semaphore_mem>>) {add = true}
      %dma_start3A_91 = arith.constant 5 : i32
      %dma_start3A_92 = tpu.memref_slice %arg8[%dma_start3A_91, %mul3A_60] : memref<16x1024xi32, #tpu.memory_space<vmem>> -> memref<1x128xi32, #tpu.memory_space<vmem>>
      %dma_start3A_93 = tpu.memref_squeeze %dma_start3A_92 : memref<1x128xi32, #tpu.memory_space<vmem>> -> memref<128xi32, #tpu.memory_space<vmem>>
      %dma_start3A_94 = arith.constant 0 : i32
      %dma_start3A_95 = arith.constant 0 : i32
      %dma_start3A_96 = tpu.memref_slice %arg2[%dma_start3A_94, %dma_start3A_95] : memref<100000x128xf32, #tpu.memory_space<hbm>> -> memref<100000x128xf32, #tpu.memory_space<hbm>>
      tpu.enqueue_indirect_dma source(%dma_start3A_96 : memref<100000x128xf32, #tpu.memory_space<hbm>>) target(%arg10 : memref<128x128xf32, #tpu.memory_space<vmem>>) offsets(%dma_start3A_93 : memref<128xi32, #tpu.memory_space<vmem>>) semaphore(%arg14 : memref<!tpu.dma_semaphore, #tpu.memory_space<semaphore_mem>>) {add = true}
      %dma_start3A_97 = arith.constant 6 : i32
      %dma_start3A_98 = tpu.memref_slice %arg8[%dma_start3A_97, %mul3A_60] : memref<16x1024xi32, #tpu.memory_space<vmem>> -> memref<1x128xi32, #tpu.memory_space<vmem>>
      %dma_start3A_99 = tpu.memref_squeeze %dma_start3A_98 : memref<1x128xi32, #tpu.memory_space<vmem>> -> memref<128xi32, #tpu.memory_space<vmem>>
      %dma_start3A_100 = arith.constant 0 : i32
      %dma_start3A_101 = arith.constant 0 : i32
      %dma_start3A_102 = tpu.memref_slice %arg2[%dma_start3A_100, %dma_start3A_101] : memref<100000x128xf32, #tpu.memory_space<hbm>> -> memref<100000x128xf32, #tpu.memory_space<hbm>>
      tpu.enqueue_indirect_dma source(%dma_start3A_102 : memref<100000x128xf32, #tpu.memory_space<hbm>>) target(%arg10 : memref<128x128xf32, #tpu.memory_space<vmem>>) offsets(%dma_start3A_99 : memref<128xi32, #tpu.memory_space<vmem>>) semaphore(%arg14 : memref<!tpu.dma_semaphore, #tpu.memory_space<semaphore_mem>>) {add = true}
      %dma_start3A_103 = arith.constant 7 : i32
      %dma_start3A_104 = tpu.memref_slice %arg8[%dma_start3A_103, %mul3A_60] : memref<16x1024xi32, #tpu.memory_space<vmem>> -> memref<1x128xi32, #tpu.memory_space<vmem>>
      %dma_start3A_105 = tpu.memref_squeeze %dma_start3A_104 : memref<1x128xi32, #tpu.memory_space<vmem>> -> memref<128xi32, #tpu.memory_space<vmem>>
      %dma_start3A_106 = arith.constant 0 : i32
      %dma_start3A_107 = arith.constant 0 : i32
      %dma_start3A_108 = tpu.memref_slice %arg2[%dma_start3A_106, %dma_start3A_107] : memref<100000x128xf32, #tpu.memory_space<hbm>> -> memref<100000x128xf32, #tpu.memory_space<hbm>>
      tpu.enqueue_indirect_dma source(%dma_start3A_108 : memref<100000x128xf32, #tpu.memory_space<hbm>>) target(%arg10 : memref<128x128xf32, #tpu.memory_space<vmem>>) offsets(%dma_start3A_105 : memref<128xi32, #tpu.memory_space<vmem>>) semaphore(%arg14 : memref<!tpu.dma_semaphore, #tpu.memory_space<semaphore_mem>>) {add = true}
      %dma_start3A_109 = arith.constant 8 : i32
      %dma_start3A_110 = tpu.memref_slice %arg8[%dma_start3A_109, %mul3A_60] : memref<16x1024xi32, #tpu.memory_space<vmem>> -> memref<1x128xi32, #tpu.memory_space<vmem>>
      %dma_start3A_111 = tpu.memref_squeeze %dma_start3A_110 : memref<1x128xi32, #tpu.memory_space<vmem>> -> memref<128xi32, #tpu.memory_space<vmem>>
      %dma_start3A_112 = arith.constant 0 : i32
      %dma_start3A_113 = arith.constant 0 : i32
      %dma_start3A_114 = tpu.memref_slice %arg2[%dma_start3A_112, %dma_start3A_113] : memref<100000x128xf32, #tpu.memory_space<hbm>> -> memref<100000x128xf32, #tpu.memory_space<hbm>>
      tpu.enqueue_indirect_dma source(%dma_start3A_114 : memref<100000x128xf32, #tpu.memory_space<hbm>>) target(%arg10 : memref<128x128xf32, #tpu.memory_space<vmem>>) offsets(%dma_start3A_111 : memref<128xi32, #tpu.memory_space<vmem>>) semaphore(%arg14 : memref<!tpu.dma_semaphore, #tpu.memory_space<semaphore_mem>>) {add = true}
      %dma_start3A_115 = arith.constant 9 : i32
      %dma_start3A_116 = tpu.memref_slice %arg8[%dma_start3A_115, %mul3A_60] : memref<16x1024xi32, #tpu.memory_space<vmem>> -> memref<1x128xi32, #tpu.memory_space<vmem>>
      %dma_start3A_117 = tpu.memref_squeeze %dma_start3A_116 : memref<1x128xi32, #tpu.memory_space<vmem>> -> memref<128xi32, #tpu.memory_space<vmem>>
      %dma_start3A_118 = arith.constant 0 : i32
      %dma_start3A_119 = arith.constant 0 : i32
      %dma_start3A_120 = tpu.memref_slice %arg2[%dma_start3A_118, %dma_start3A_119] : memref<100000x128xf32, #tpu.memory_space<hbm>> -> memref<100000x128xf32, #tpu.memory_space<hbm>>
      tpu.enqueue_indirect_dma source(%dma_start3A_120 : memref<100000x128xf32, #tpu.memory_space<hbm>>) target(%arg10 : memref<128x128xf32, #tpu.memory_space<vmem>>) offsets(%dma_start3A_117 : memref<128xi32, #tpu.memory_space<vmem>>) semaphore(%arg14 : memref<!tpu.dma_semaphore, #tpu.memory_space<semaphore_mem>>) {add = true}
      %dma_start3A_121 = arith.constant 10 : i32
      %dma_start3A_122 = tpu.memref_slice %arg8[%dma_start3A_121, %mul3A_60] : memref<16x1024xi32, #tpu.memory_space<vmem>> -> memref<1x128xi32, #tpu.memory_space<vmem>>
      %dma_start3A_123 = tpu.memref_squeeze %dma_start3A_122 : memref<1x128xi32, #tpu.memory_space<vmem>> -> memref<128xi32, #tpu.memory_space<vmem>>
      %dma_start3A_124 = arith.constant 0 : i32
      %dma_start3A_125 = arith.constant 0 : i32
      %dma_start3A_126 = tpu.memref_slice %arg2[%dma_start3A_124, %dma_start3A_125] : memref<100000x128xf32, #tpu.memory_space<hbm>> -> memref<100000x128xf32, #tpu.memory_space<hbm>>
      tpu.enqueue_indirect_dma source(%dma_start3A_126 : memref<100000x128xf32, #tpu.memory_space<hbm>>) target(%arg10 : memref<128x128xf32, #tpu.memory_space<vmem>>) offsets(%dma_start3A_123 : memref<128xi32, #tpu.memory_space<vmem>>) semaphore(%arg14 : memref<!tpu.dma_semaphore, #tpu.memory_space<semaphore_mem>>) {add = true}
      %dma_start3A_127 = arith.constant 11 : i32
      %dma_start3A_128 = tpu.memref_slice %arg8[%dma_start3A_127, %mul3A_60] : memref<16x1024xi32, #tpu.memory_space<vmem>> -> memref<1x128xi32, #tpu.memory_space<vmem>>
      %dma_start3A_129 = tpu.memref_squeeze %dma_start3A_128 : memref<1x128xi32, #tpu.memory_space<vmem>> -> memref<128xi32, #tpu.memory_space<vmem>>
      %dma_start3A_130 = arith.constant 0 : i32
      %dma_start3A_131 = arith.constant 0 : i32
      %dma_start3A_132 = tpu.memref_slice %arg2[%dma_start3A_130, %dma_start3A_131] : memref<100000x128xf32, #tpu.memory_space<hbm>> -> memref<100000x128xf32, #tpu.memory_space<hbm>>
      tpu.enqueue_indirect_dma source(%dma_start3A_132 : memref<100000x128xf32, #tpu.memory_space<hbm>>) target(%arg10 : memref<128x128xf32, #tpu.memory_space<vmem>>) offsets(%dma_start3A_129 : memref<128xi32, #tpu.memory_space<vmem>>) semaphore(%arg14 : memref<!tpu.dma_semaphore, #tpu.memory_space<semaphore_mem>>) {add = true}
      %dma_start3A_133 = arith.constant 12 : i32
      %dma_start3A_134 = tpu.memref_slice %arg8[%dma_start3A_133, %mul3A_60] : memref<16x1024xi32, #tpu.memory_space<vmem>> -> memref<1x128xi32, #tpu.memory_space<vmem>>
      %dma_start3A_135 = tpu.memref_squeeze %dma_start3A_134 : memref<1x128xi32, #tpu.memory_space<vmem>> -> memref<128xi32, #tpu.memory_space<vmem>>
      %dma_start3A_136 = arith.constant 0 : i32
      %dma_start3A_137 = arith.constant 0 : i32
      %dma_start3A_138 = tpu.memref_slice %arg2[%dma_start3A_136, %dma_start3A_137] : memref<100000x128xf32, #tpu.memory_space<hbm>> -> memref<100000x128xf32, #tpu.memory_space<hbm>>
      tpu.enqueue_indirect_dma source(%dma_start3A_138 : memref<100000x128xf32, #tpu.memory_space<hbm>>) target(%arg10 : memref<128x128xf32, #tpu.memory_space<vmem>>) offsets(%dma_start3A_135 : memref<128xi32, #tpu.memory_space<vmem>>) semaphore(%arg14 : memref<!tpu.dma_semaphore, #tpu.memory_space<semaphore_mem>>) {add = true}
      %dma_start3A_139 = arith.constant 13 : i32
      %dma_start3A_140 = tpu.memref_slice %arg8[%dma_start3A_139, %mul3A_60] : memref<16x1024xi32, #tpu.memory_space<vmem>> -> memref<1x128xi32, #tpu.memory_space<vmem>>
      %dma_start3A_141 = tpu.memref_squeeze %dma_start3A_140 : memref<1x128xi32, #tpu.memory_space<vmem>> -> memref<128xi32, #tpu.memory_space<vmem>>
      %dma_start3A_142 = arith.constant 0 : i32
      %dma_start3A_143 = arith.constant 0 : i32
      %dma_start3A_144 = tpu.memref_slice %arg2[%dma_start3A_142, %dma_start3A_143] : memref<100000x128xf32, #tpu.memory_space<hbm>> -> memref<100000x128xf32, #tpu.memory_space<hbm>>
      tpu.enqueue_indirect_dma source(%dma_start3A_144 : memref<100000x128xf32, #tpu.memory_space<hbm>>) target(%arg10 : memref<128x128xf32, #tpu.memory_space<vmem>>) offsets(%dma_start3A_141 : memref<128xi32, #tpu.memory_space<vmem>>) semaphore(%arg14 : memref<!tpu.dma_semaphore, #tpu.memory_space<semaphore_mem>>) {add = true}
      %dma_start3A_145 = arith.constant 14 : i32
      %dma_start3A_146 = tpu.memref_slice %arg8[%dma_start3A_145, %mul3A_60] : memref<16x1024xi32, #tpu.memory_space<vmem>> -> memref<1x128xi32, #tpu.memory_space<vmem>>
      %dma_start3A_147 = tpu.memref_squeeze %dma_start3A_146 : memref<1x128xi32, #tpu.memory_space<vmem>> -> memref<128xi32, #tpu.memory_space<vmem>>
      %dma_start3A_148 = arith.constant 0 : i32
      %dma_start3A_149 = arith.constant 0 : i32
      %dma_start3A_150 = tpu.memref_slice %arg2[%dma_start3A_148, %dma_start3A_149] : memref<100000x128xf32, #tpu.memory_space<hbm>> -> memref<100000x128xf32, #tpu.memory_space<hbm>>
      tpu.enqueue_indirect_dma source(%dma_start3A_150 : memref<100000x128xf32, #tpu.memory_space<hbm>>) target(%arg10 : memref<128x128xf32, #tpu.memory_space<vmem>>) offsets(%dma_start3A_147 : memref<128xi32, #tpu.memory_space<vmem>>) semaphore(%arg14 : memref<!tpu.dma_semaphore, #tpu.memory_space<semaphore_mem>>) {add = true}
      %dma_start3A_151 = arith.constant 15 : i32
      %dma_start3A_152 = tpu.memref_slice %arg8[%dma_start3A_151, %mul3A_60] : memref<16x1024xi32, #tpu.memory_space<vmem>> -> memref<1x128xi32, #tpu.memory_space<vmem>>
      %dma_start3A_153 = tpu.memref_squeeze %dma_start3A_152 : memref<1x128xi32, #tpu.memory_space<vmem>> -> memref<128xi32, #tpu.memory_space<vmem>>
      %dma_start3A_154 = arith.constant 0 : i32
      %dma_start3A_155 = arith.constant 0 : i32
      %dma_start3A_156 = tpu.memref_slice %arg2[%dma_start3A_154, %dma_start3A_155] : memref<100000x128xf32, #tpu.memory_space<hbm>> -> memref<100000x128xf32, #tpu.memory_space<hbm>>
      tpu.enqueue_indirect_dma source(%dma_start3A_156 : memref<100000x128xf32, #tpu.memory_space<hbm>>) target(%arg10 : memref<128x128xf32, #tpu.memory_space<vmem>>) offsets(%dma_start3A_153 : memref<128xi32, #tpu.memory_space<vmem>>) semaphore(%arg14 : memref<!tpu.dma_semaphore, #tpu.memory_space<semaphore_mem>>) {add = true}
      %mul3A_157 = arith.constant 2 : i32
      %mul3A_158 = arith.muli %mul3A_157, %scan3A_22 : i32
      %add3A_159 = arith.constant 1 : i32
      %add3A_160 = arith.addi %mul3A_158, %add3A_159 : i32
      %mul3A_161 = arith.constant 128 : i32
      %mul3A_162 = arith.muli %add3A_160, %mul3A_161 : i32
      %dma_wait3A_163 = arith.constant 0 : i32
      %dma_wait3A_164 = tpu.memref_slice %arg8[%dma_wait3A_163, %mul3A_44] : memref<16x1024xi32, #tpu.memory_space<vmem>> -> memref<1x128xi32, #tpu.memory_space<vmem>>
      %dma_wait3A_165 = tpu.memref_squeeze %dma_wait3A_164 : memref<1x128xi32, #tpu.memory_space<vmem>> -> memref<128xi32, #tpu.memory_space<vmem>>
      %dma_wait3A_166 = arith.constant 0 : i32
      %dma_wait3A_167 = arith.constant 0 : i32
      %dma_wait3A_168 = tpu.memref_slice %arg2[%dma_wait3A_166, %dma_wait3A_167] : memref<100000x128xf32, #tpu.memory_space<hbm>> -> memref<100000x128xf32, #tpu.memory_space<hbm>>
      tpu.wait_indirect_dma semaphore(%arg15 : memref<!tpu.dma_semaphore, #tpu.memory_space<semaphore_mem>>) src(%dma_wait3A_168 : memref<100000x128xf32, #tpu.memory_space<hbm>>) dst(%arg12 : memref<128x128xf32, #tpu.memory_space<vmem>>)
      %dma_start3A_169 = arith.constant 1 : i32
      %dma_start3A_170 = tpu.memref_slice %arg8[%dma_start3A_169, %mul3A_162] : memref<16x1024xi32, #tpu.memory_space<vmem>> -> memref<1x128xi32, #tpu.memory_space<vmem>>
      %dma_start3A_171 = tpu.memref_squeeze %dma_start3A_170 : memref<1x128xi32, #tpu.memory_space<vmem>> -> memref<128xi32, #tpu.memory_space<vmem>>
      %dma_start3A_172 = arith.constant 0 : i32
      %dma_start3A_173 = arith.constant 0 : i32
      %dma_start3A_174 = tpu.memref_slice %arg2[%dma_start3A_172, %dma_start3A_173] : memref<100000x128xf32, #tpu.memory_space<hbm>> -> memref<100000x128xf32, #tpu.memory_space<hbm>>
      tpu.enqueue_indirect_dma source(%dma_start3A_174 : memref<100000x128xf32, #tpu.memory_space<hbm>>) target(%arg12 : memref<128x128xf32, #tpu.memory_space<vmem>>) offsets(%dma_start3A_171 : memref<128xi32, #tpu.memory_space<vmem>>) semaphore(%arg15 : memref<!tpu.dma_semaphore, #tpu.memory_space<semaphore_mem>>) {add = true}
      %dma_start3A_175 = arith.constant 2 : i32
      %dma_start3A_176 = tpu.memref_slice %arg8[%dma_start3A_175, %mul3A_162] : memref<16x1024xi32, #tpu.memory_space<vmem>> -> memref<1x128xi32, #tpu.memory_space<vmem>>
      %dma_start3A_177 = tpu.memref_squeeze %dma_start3A_176 : memref<1x128xi32, #tpu.memory_space<vmem>> -> memref<128xi32, #tpu.memory_space<vmem>>
      %dma_start3A_178 = arith.constant 0 : i32
      %dma_start3A_179 = arith.constant 0 : i32
      %dma_start3A_180 = tpu.memref_slice %arg2[%dma_start3A_178, %dma_start3A_179] : memref<100000x128xf32, #tpu.memory_space<hbm>> -> memref<100000x128xf32, #tpu.memory_space<hbm>>
      tpu.enqueue_indirect_dma source(%dma_start3A_180 : memref<100000x128xf32, #tpu.memory_space<hbm>>) target(%arg12 : memref<128x128xf32, #tpu.memory_space<vmem>>) offsets(%dma_start3A_177 : memref<128xi32, #tpu.memory_space<vmem>>) semaphore(%arg15 : memref<!tpu.dma_semaphore, #tpu.memory_space<semaphore_mem>>) {add = true}
      %dma_start3A_181 = arith.constant 3 : i32
      %dma_start3A_182 = tpu.memref_slice %arg8[%dma_start3A_181, %mul3A_162] : memref<16x1024xi32, #tpu.memory_space<vmem>> -> memref<1x128xi32, #tpu.memory_space<vmem>>
      %dma_start3A_183 = tpu.memref_squeeze %dma_start3A_182 : memref<1x128xi32, #tpu.memory_space<vmem>> -> memref<128xi32, #tpu.memory_space<vmem>>
      %dma_start3A_184 = arith.constant 0 : i32
      %dma_start3A_185 = arith.constant 0 : i32
      %dma_start3A_186 = tpu.memref_slice %arg2[%dma_start3A_184, %dma_start3A_185] : memref<100000x128xf32, #tpu.memory_space<hbm>> -> memref<100000x128xf32, #tpu.memory_space<hbm>>
      tpu.enqueue_indirect_dma source(%dma_start3A_186 : memref<100000x128xf32, #tpu.memory_space<hbm>>) target(%arg12 : memref<128x128xf32, #tpu.memory_space<vmem>>) offsets(%dma_start3A_183 : memref<128xi32, #tpu.memory_space<vmem>>) semaphore(%arg15 : memref<!tpu.dma_semaphore, #tpu.memory_space<semaphore_mem>>) {add = true}
      %dma_start3A_187 = arith.constant 4 : i32
      %dma_start3A_188 = tpu.memref_slice %arg8[%dma_start3A_187, %mul3A_162] : memref<16x1024xi32, #tpu.memory_space<vmem>> -> memref<1x128xi32, #tpu.memory_space<vmem>>
      %dma_start3A_189 = tpu.memref_squeeze %dma_start3A_188 : memref<1x128xi32, #tpu.memory_space<vmem>> -> memref<128xi32, #tpu.memory_space<vmem>>
      %dma_start3A_190 = arith.constant 0 : i32
      %dma_start3A_191 = arith.constant 0 : i32
      %dma_start3A_192 = tpu.memref_slice %arg2[%dma_start3A_190, %dma_start3A_191] : memref<100000x128xf32, #tpu.memory_space<hbm>> -> memref<100000x128xf32, #tpu.memory_space<hbm>>
      tpu.enqueue_indirect_dma source(%dma_start3A_192 : memref<100000x128xf32, #tpu.memory_space<hbm>>) target(%arg12 : memref<128x128xf32, #tpu.memory_space<vmem>>) offsets(%dma_start3A_189 : memref<128xi32, #tpu.memory_space<vmem>>) semaphore(%arg15 : memref<!tpu.dma_semaphore, #tpu.memory_space<semaphore_mem>>) {add = true}
      %dma_start3A_193 = arith.constant 5 : i32
      %dma_start3A_194 = tpu.memref_slice %arg8[%dma_start3A_193, %mul3A_162] : memref<16x1024xi32, #tpu.memory_space<vmem>> -> memref<1x128xi32, #tpu.memory_space<vmem>>
      %dma_start3A_195 = tpu.memref_squeeze %dma_start3A_194 : memref<1x128xi32, #tpu.memory_space<vmem>> -> memref<128xi32, #tpu.memory_space<vmem>>
      %dma_start3A_196 = arith.constant 0 : i32
      %dma_start3A_197 = arith.constant 0 : i32
      %dma_start3A_198 = tpu.memref_slice %arg2[%dma_start3A_196, %dma_start3A_197] : memref<100000x128xf32, #tpu.memory_space<hbm>> -> memref<100000x128xf32, #tpu.memory_space<hbm>>
      tpu.enqueue_indirect_dma source(%dma_start3A_198 : memref<100000x128xf32, #tpu.memory_space<hbm>>) target(%arg12 : memref<128x128xf32, #tpu.memory_space<vmem>>) offsets(%dma_start3A_195 : memref<128xi32, #tpu.memory_space<vmem>>) semaphore(%arg15 : memref<!tpu.dma_semaphore, #tpu.memory_space<semaphore_mem>>) {add = true}
      %dma_start3A_199 = arith.constant 6 : i32
      %dma_start3A_200 = tpu.memref_slice %arg8[%dma_start3A_199, %mul3A_162] : memref<16x1024xi32, #tpu.memory_space<vmem>> -> memref<1x128xi32, #tpu.memory_space<vmem>>
      %dma_start3A_201 = tpu.memref_squeeze %dma_start3A_200 : memref<1x128xi32, #tpu.memory_space<vmem>> -> memref<128xi32, #tpu.memory_space<vmem>>
      %dma_start3A_202 = arith.constant 0 : i32
      %dma_start3A_203 = arith.constant 0 : i32
      %dma_start3A_204 = tpu.memref_slice %arg2[%dma_start3A_202, %dma_start3A_203] : memref<100000x128xf32, #tpu.memory_space<hbm>> -> memref<100000x128xf32, #tpu.memory_space<hbm>>
      tpu.enqueue_indirect_dma source(%dma_start3A_204 : memref<100000x128xf32, #tpu.memory_space<hbm>>) target(%arg12 : memref<128x128xf32, #tpu.memory_space<vmem>>) offsets(%dma_start3A_201 : memref<128xi32, #tpu.memory_space<vmem>>) semaphore(%arg15 : memref<!tpu.dma_semaphore, #tpu.memory_space<semaphore_mem>>) {add = true}
      %dma_start3A_205 = arith.constant 7 : i32
      %dma_start3A_206 = tpu.memref_slice %arg8[%dma_start3A_205, %mul3A_162] : memref<16x1024xi32, #tpu.memory_space<vmem>> -> memref<1x128xi32, #tpu.memory_space<vmem>>
      %dma_start3A_207 = tpu.memref_squeeze %dma_start3A_206 : memref<1x128xi32, #tpu.memory_space<vmem>> -> memref<128xi32, #tpu.memory_space<vmem>>
      %dma_start3A_208 = arith.constant 0 : i32
      %dma_start3A_209 = arith.constant 0 : i32
      %dma_start3A_210 = tpu.memref_slice %arg2[%dma_start3A_208, %dma_start3A_209] : memref<100000x128xf32, #tpu.memory_space<hbm>> -> memref<100000x128xf32, #tpu.memory_space<hbm>>
      tpu.enqueue_indirect_dma source(%dma_start3A_210 : memref<100000x128xf32, #tpu.memory_space<hbm>>) target(%arg12 : memref<128x128xf32, #tpu.memory_space<vmem>>) offsets(%dma_start3A_207 : memref<128xi32, #tpu.memory_space<vmem>>) semaphore(%arg15 : memref<!tpu.dma_semaphore, #tpu.memory_space<semaphore_mem>>) {add = true}
      %dma_start3A_211 = arith.constant 8 : i32
      %dma_start3A_212 = tpu.memref_slice %arg8[%dma_start3A_211, %mul3A_162] : memref<16x1024xi32, #tpu.memory_space<vmem>> -> memref<1x128xi32, #tpu.memory_space<vmem>>
      %dma_start3A_213 = tpu.memref_squeeze %dma_start3A_212 : memref<1x128xi32, #tpu.memory_space<vmem>> -> memref<128xi32, #tpu.memory_space<vmem>>
      %dma_start3A_214 = arith.constant 0 : i32
      %dma_start3A_215 = arith.constant 0 : i32
      %dma_start3A_216 = tpu.memref_slice %arg2[%dma_start3A_214, %dma_start3A_215] : memref<100000x128xf32, #tpu.memory_space<hbm>> -> memref<100000x128xf32, #tpu.memory_space<hbm>>
      tpu.enqueue_indirect_dma source(%dma_start3A_216 : memref<100000x128xf32, #tpu.memory_space<hbm>>) target(%arg12 : memref<128x128xf32, #tpu.memory_space<vmem>>) offsets(%dma_start3A_213 : memref<128xi32, #tpu.memory_space<vmem>>) semaphore(%arg15 : memref<!tpu.dma_semaphore, #tpu.memory_space<semaphore_mem>>) {add = true}
      %dma_start3A_217 = arith.constant 9 : i32
      %dma_start3A_218 = tpu.memref_slice %arg8[%dma_start3A_217, %mul3A_162] : memref<16x1024xi32, #tpu.memory_space<vmem>> -> memref<1x128xi32, #tpu.memory_space<vmem>>
      %dma_start3A_219 = tpu.memref_squeeze %dma_start3A_218 : memref<1x128xi32, #tpu.memory_space<vmem>> -> memref<128xi32, #tpu.memory_space<vmem>>
      %dma_start3A_220 = arith.constant 0 : i32
      %dma_start3A_221 = arith.constant 0 : i32
      %dma_start3A_222 = tpu.memref_slice %arg2[%dma_start3A_220, %dma_start3A_221] : memref<100000x128xf32, #tpu.memory_space<hbm>> -> memref<100000x128xf32, #tpu.memory_space<hbm>>
      tpu.enqueue_indirect_dma source(%dma_start3A_222 : memref<100000x128xf32, #tpu.memory_space<hbm>>) target(%arg12 : memref<128x128xf32, #tpu.memory_space<vmem>>) offsets(%dma_start3A_219 : memref<128xi32, #tpu.memory_space<vmem>>) semaphore(%arg15 : memref<!tpu.dma_semaphore, #tpu.memory_space<semaphore_mem>>) {add = true}
      %dma_start3A_223 = arith.constant 10 : i32
      %dma_start3A_224 = tpu.memref_slice %arg8[%dma_start3A_223, %mul3A_162] : memref<16x1024xi32, #tpu.memory_space<vmem>> -> memref<1x128xi32, #tpu.memory_space<vmem>>
      %dma_start3A_225 = tpu.memref_squeeze %dma_start3A_224 : memref<1x128xi32, #tpu.memory_space<vmem>> -> memref<128xi32, #tpu.memory_space<vmem>>
      %dma_start3A_226 = arith.constant 0 : i32
      %dma_start3A_227 = arith.constant 0 : i32
      %dma_start3A_228 = tpu.memref_slice %arg2[%dma_start3A_226, %dma_start3A_227] : memref<100000x128xf32, #tpu.memory_space<hbm>> -> memref<100000x128xf32, #tpu.memory_space<hbm>>
      tpu.enqueue_indirect_dma source(%dma_start3A_228 : memref<100000x128xf32, #tpu.memory_space<hbm>>) target(%arg12 : memref<128x128xf32, #tpu.memory_space<vmem>>) offsets(%dma_start3A_225 : memref<128xi32, #tpu.memory_space<vmem>>) semaphore(%arg15 : memref<!tpu.dma_semaphore, #tpu.memory_space<semaphore_mem>>) {add = true}
      %dma_start3A_229 = arith.constant 11 : i32
      %dma_start3A_230 = tpu.memref_slice %arg8[%dma_start3A_229, %mul3A_162] : memref<16x1024xi32, #tpu.memory_space<vmem>> -> memref<1x128xi32, #tpu.memory_space<vmem>>
      %dma_start3A_231 = tpu.memref_squeeze %dma_start3A_230 : memref<1x128xi32, #tpu.memory_space<vmem>> -> memref<128xi32, #tpu.memory_space<vmem>>
      %dma_start3A_232 = arith.constant 0 : i32
      %dma_start3A_233 = arith.constant 0 : i32
      %dma_start3A_234 = tpu.memref_slice %arg2[%dma_start3A_232, %dma_start3A_233] : memref<100000x128xf32, #tpu.memory_space<hbm>> -> memref<100000x128xf32, #tpu.memory_space<hbm>>
      tpu.enqueue_indirect_dma source(%dma_start3A_234 : memref<100000x128xf32, #tpu.memory_space<hbm>>) target(%arg12 : memref<128x128xf32, #tpu.memory_space<vmem>>) offsets(%dma_start3A_231 : memref<128xi32, #tpu.memory_space<vmem>>) semaphore(%arg15 : memref<!tpu.dma_semaphore, #tpu.memory_space<semaphore_mem>>) {add = true}
      %dma_start3A_235 = arith.constant 12 : i32
      %dma_start3A_236 = tpu.memref_slice %arg8[%dma_start3A_235, %mul3A_162] : memref<16x1024xi32, #tpu.memory_space<vmem>> -> memref<1x128xi32, #tpu.memory_space<vmem>>
      %dma_start3A_237 = tpu.memref_squeeze %dma_start3A_236 : memref<1x128xi32, #tpu.memory_space<vmem>> -> memref<128xi32, #tpu.memory_space<vmem>>
      %dma_start3A_238 = arith.constant 0 : i32
      %dma_start3A_239 = arith.constant 0 : i32
      %dma_start3A_240 = tpu.memref_slice %arg2[%dma_start3A_238, %dma_start3A_239] : memref<100000x128xf32, #tpu.memory_space<hbm>> -> memref<100000x128xf32, #tpu.memory_space<hbm>>
      tpu.enqueue_indirect_dma source(%dma_start3A_240 : memref<100000x128xf32, #tpu.memory_space<hbm>>) target(%arg12 : memref<128x128xf32, #tpu.memory_space<vmem>>) offsets(%dma_start3A_237 : memref<128xi32, #tpu.memory_space<vmem>>) semaphore(%arg15 : memref<!tpu.dma_semaphore, #tpu.memory_space<semaphore_mem>>) {add = true}
      %dma_start3A_241 = arith.constant 13 : i32
      %dma_start3A_242 = tpu.memref_slice %arg8[%dma_start3A_241, %mul3A_162] : memref<16x1024xi32, #tpu.memory_space<vmem>> -> memref<1x128xi32, #tpu.memory_space<vmem>>
      %dma_start3A_243 = tpu.memref_squeeze %dma_start3A_242 : memref<1x128xi32, #tpu.memory_space<vmem>> -> memref<128xi32, #tpu.memory_space<vmem>>
      %dma_start3A_244 = arith.constant 0 : i32
      %dma_start3A_245 = arith.constant 0 : i32
      %dma_start3A_246 = tpu.memref_slice %arg2[%dma_start3A_244, %dma_start3A_245] : memref<100000x128xf32, #tpu.memory_space<hbm>> -> memref<100000x128xf32, #tpu.memory_space<hbm>>
      tpu.enqueue_indirect_dma source(%dma_start3A_246 : memref<100000x128xf32, #tpu.memory_space<hbm>>) target(%arg12 : memref<128x128xf32, #tpu.memory_space<vmem>>) offsets(%dma_start3A_243 : memref<128xi32, #tpu.memory_space<vmem>>) semaphore(%arg15 : memref<!tpu.dma_semaphore, #tpu.memory_space<semaphore_mem>>) {add = true}
      %dma_start3A_247 = arith.constant 14 : i32
      %dma_start3A_248 = tpu.memref_slice %arg8[%dma_start3A_247, %mul3A_162] : memref<16x1024xi32, #tpu.memory_space<vmem>> -> memref<1x128xi32, #tpu.memory_space<vmem>>
      %dma_start3A_249 = tpu.memref_squeeze %dma_start3A_248 : memref<1x128xi32, #tpu.memory_space<vmem>> -> memref<128xi32, #tpu.memory_space<vmem>>
      %dma_start3A_250 = arith.constant 0 : i32
      %dma_start3A_251 = arith.constant 0 : i32
      %dma_start3A_252 = tpu.memref_slice %arg2[%dma_start3A_250, %dma_start3A_251] : memref<100000x128xf32, #tpu.memory_space<hbm>> -> memref<100000x128xf32, #tpu.memory_space<hbm>>
      tpu.enqueue_indirect_dma source(%dma_start3A_252 : memref<100000x128xf32, #tpu.memory_space<hbm>>) target(%arg12 : memref<128x128xf32, #tpu.memory_space<vmem>>) offsets(%dma_start3A_249 : memref<128xi32, #tpu.memory_space<vmem>>) semaphore(%arg15 : memref<!tpu.dma_semaphore, #tpu.memory_space<semaphore_mem>>) {add = true}
      %dma_start3A_253 = arith.constant 15 : i32
      %dma_start3A_254 = tpu.memref_slice %arg8[%dma_start3A_253, %mul3A_162] : memref<16x1024xi32, #tpu.memory_space<vmem>> -> memref<1x128xi32, #tpu.memory_space<vmem>>
      %dma_start3A_255 = tpu.memref_squeeze %dma_start3A_254 : memref<1x128xi32, #tpu.memory_space<vmem>> -> memref<128xi32, #tpu.memory_space<vmem>>
      %dma_start3A_256 = arith.constant 0 : i32
      %dma_start3A_257 = arith.constant 0 : i32
      %dma_start3A_258 = tpu.memref_slice %arg2[%dma_start3A_256, %dma_start3A_257] : memref<100000x128xf32, #tpu.memory_space<hbm>> -> memref<100000x128xf32, #tpu.memory_space<hbm>>
      tpu.enqueue_indirect_dma source(%dma_start3A_258 : memref<100000x128xf32, #tpu.memory_space<hbm>>) target(%arg12 : memref<128x128xf32, #tpu.memory_space<vmem>>) offsets(%dma_start3A_255 : memref<128xi32, #tpu.memory_space<vmem>>) semaphore(%arg15 : memref<!tpu.dma_semaphore, #tpu.memory_space<semaphore_mem>>) {add = true}
      %mul3A_259 = arith.constant 2 : i32
      %mul3A_260 = arith.muli %mul3A_259, %scan3A_22 : i32
      %add3A_261 = arith.constant 0 : i32
      %add3A_262 = arith.addi %mul3A_260, %add3A_261 : i32
      %mul3A_263 = arith.constant 128 : i32
      %mul3A_264 = arith.muli %add3A_262, %mul3A_263 : i32
      %dma_wait3A_265 = tpu.memref_slice %arg7[%mul3A_28] : memref<1024xi32, #tpu.memory_space<vmem>> -> memref<128xi32, #tpu.memory_space<vmem>>
      %dma_wait3A_266 = arith.constant 0 : i32
      %dma_wait3A_267 = arith.constant 0 : i32
      %dma_wait3A_268 = tpu.memref_slice %arg2[%dma_wait3A_266, %dma_wait3A_267] : memref<100000x128xf32, #tpu.memory_space<hbm>> -> memref<100000x128xf32, #tpu.memory_space<hbm>>
      tpu.wait_indirect_dma semaphore(%arg16 : memref<!tpu.dma_semaphore, #tpu.memory_space<semaphore_mem>>) src(%dma_wait3A_268 : memref<100000x128xf32, #tpu.memory_space<hbm>>) dst(%arg9 : memref<128x128xf32, #tpu.memory_space<vmem>>)
      %add3A_269 = arith.addi %mul3A_2, %mul3A_264 : i32
      "tpu.region"() ({
        %run_scoped3A = tpu.sem_alloc : memref<!tpu.dma_semaphore, #tpu.memory_space<semaphore_mem>>
        %dma_start3A_463 = arith.constant 0 : i32
        %dma_start3A_464 = tpu.memref_slice %arg5[%add3A_269, %dma_start3A_463] : memref<32768x128xf32, #tpu.memory_space<hbm>> -> memref<128x128xf32, #tpu.memory_space<hbm>>
        %dma_start3A_465 = arith.constant 0 : i32
        %dma_start3A_466 = tpu.memref_slice %arg5[%add3A_269, %dma_start3A_465] : memref<32768x128xf32, #tpu.memory_space<hbm>> -> memref<128x128xf32, #tpu.memory_space<hbm>>
        tpu.enqueue_dma source(%arg9 : memref<128x128xf32, #tpu.memory_space<vmem>>) target(%dma_start3A_466 : memref<128x128xf32, #tpu.memory_space<hbm>>) target_semaphore(%run_scoped3A : memref<!tpu.dma_semaphore, #tpu.memory_space<semaphore_mem>>)
        %dma_wait3A_467 = arith.constant 0 : i32
        %dma_wait3A_468 = tpu.memref_slice %arg5[%add3A_269, %dma_wait3A_467] : memref<32768x128xf32, #tpu.memory_space<hbm>> -> memref<128x128xf32, #tpu.memory_space<hbm>>
        %dma_wait3A_469 = arith.constant 0 : i32
        %dma_wait3A_470 = tpu.memref_slice %arg5[%add3A_269, %dma_wait3A_469] : memref<32768x128xf32, #tpu.memory_space<hbm>> -> memref<128x128xf32, #tpu.memory_space<hbm>>
        tpu.wait_dma2 semaphore(%run_scoped3A : memref<!tpu.dma_semaphore, #tpu.memory_space<semaphore_mem>>) src(%arg9 : memref<128x128xf32, #tpu.memory_space<vmem>>) dst(%dma_wait3A_470 : memref<128x128xf32, #tpu.memory_space<hbm>>)
        tpu.yield
      }) : () -> ()
      %dma_wait3A_270 = arith.constant 1 : i32
      %dma_wait3A_271 = tpu.memref_slice %arg8[%dma_wait3A_270, %mul3A_60] : memref<16x1024xi32, #tpu.memory_space<vmem>> -> memref<1x128xi32, #tpu.memory_space<vmem>>
      %dma_wait3A_272 = tpu.memref_squeeze %dma_wait3A_271 : memref<1x128xi32, #tpu.memory_space<vmem>> -> memref<128xi32, #tpu.memory_space<vmem>>
      %dma_wait3A_273 = arith.constant 0 : i32
      %dma_wait3A_274 = arith.constant 0 : i32
      %dma_wait3A_275 = tpu.memref_slice %arg2[%dma_wait3A_273, %dma_wait3A_274] : memref<100000x128xf32, #tpu.memory_space<hbm>> -> memref<100000x128xf32, #tpu.memory_space<hbm>>
      tpu.wait_indirect_dma semaphore(%arg14 : memref<!tpu.dma_semaphore, #tpu.memory_space<semaphore_mem>>) src(%dma_wait3A_275 : memref<100000x128xf32, #tpu.memory_space<hbm>>) dst(%arg10 : memref<128x128xf32, #tpu.memory_space<vmem>>)
      %dma_wait3A_276 = arith.constant 2 : i32
      %dma_wait3A_277 = tpu.memref_slice %arg8[%dma_wait3A_276, %mul3A_60] : memref<16x1024xi32, #tpu.memory_space<vmem>> -> memref<1x128xi32, #tpu.memory_space<vmem>>
      %dma_wait3A_278 = tpu.memref_squeeze %dma_wait3A_277 : memref<1x128xi32, #tpu.memory_space<vmem>> -> memref<128xi32, #tpu.memory_space<vmem>>
      %dma_wait3A_279 = arith.constant 0 : i32
      %dma_wait3A_280 = arith.constant 0 : i32
      %dma_wait3A_281 = tpu.memref_slice %arg2[%dma_wait3A_279, %dma_wait3A_280] : memref<100000x128xf32, #tpu.memory_space<hbm>> -> memref<100000x128xf32, #tpu.memory_space<hbm>>
      tpu.wait_indirect_dma semaphore(%arg14 : memref<!tpu.dma_semaphore, #tpu.memory_space<semaphore_mem>>) src(%dma_wait3A_281 : memref<100000x128xf32, #tpu.memory_space<hbm>>) dst(%arg10 : memref<128x128xf32, #tpu.memory_space<vmem>>)
      %dma_wait3A_282 = arith.constant 3 : i32
      %dma_wait3A_283 = tpu.memref_slice %arg8[%dma_wait3A_282, %mul3A_60] : memref<16x1024xi32, #tpu.memory_space<vmem>> -> memref<1x128xi32, #tpu.memory_space<vmem>>
      %dma_wait3A_284 = tpu.memref_squeeze %dma_wait3A_283 : memref<1x128xi32, #tpu.memory_space<vmem>> -> memref<128xi32, #tpu.memory_space<vmem>>
      %dma_wait3A_285 = arith.constant 0 : i32
      %dma_wait3A_286 = arith.constant 0 : i32
      %dma_wait3A_287 = tpu.memref_slice %arg2[%dma_wait3A_285, %dma_wait3A_286] : memref<100000x128xf32, #tpu.memory_space<hbm>> -> memref<100000x128xf32, #tpu.memory_space<hbm>>
      tpu.wait_indirect_dma semaphore(%arg14 : memref<!tpu.dma_semaphore, #tpu.memory_space<semaphore_mem>>) src(%dma_wait3A_287 : memref<100000x128xf32, #tpu.memory_space<hbm>>) dst(%arg10 : memref<128x128xf32, #tpu.memory_space<vmem>>)
      %dma_wait3A_288 = arith.constant 4 : i32
      %dma_wait3A_289 = tpu.memref_slice %arg8[%dma_wait3A_288, %mul3A_60] : memref<16x1024xi32, #tpu.memory_space<vmem>> -> memref<1x128xi32, #tpu.memory_space<vmem>>
      %dma_wait3A_290 = tpu.memref_squeeze %dma_wait3A_289 : memref<1x128xi32, #tpu.memory_space<vmem>> -> memref<128xi32, #tpu.memory_space<vmem>>
      %dma_wait3A_291 = arith.constant 0 : i32
      %dma_wait3A_292 = arith.constant 0 : i32
      %dma_wait3A_293 = tpu.memref_slice %arg2[%dma_wait3A_291, %dma_wait3A_292] : memref<100000x128xf32, #tpu.memory_space<hbm>> -> memref<100000x128xf32, #tpu.memory_space<hbm>>
      tpu.wait_indirect_dma semaphore(%arg14 : memref<!tpu.dma_semaphore, #tpu.memory_space<semaphore_mem>>) src(%dma_wait3A_293 : memref<100000x128xf32, #tpu.memory_space<hbm>>) dst(%arg10 : memref<128x128xf32, #tpu.memory_space<vmem>>)
      %dma_wait3A_294 = arith.constant 5 : i32
      %dma_wait3A_295 = tpu.memref_slice %arg8[%dma_wait3A_294, %mul3A_60] : memref<16x1024xi32, #tpu.memory_space<vmem>> -> memref<1x128xi32, #tpu.memory_space<vmem>>
      %dma_wait3A_296 = tpu.memref_squeeze %dma_wait3A_295 : memref<1x128xi32, #tpu.memory_space<vmem>> -> memref<128xi32, #tpu.memory_space<vmem>>
      %dma_wait3A_297 = arith.constant 0 : i32
      %dma_wait3A_298 = arith.constant 0 : i32
      %dma_wait3A_299 = tpu.memref_slice %arg2[%dma_wait3A_297, %dma_wait3A_298] : memref<100000x128xf32, #tpu.memory_space<hbm>> -> memref<100000x128xf32, #tpu.memory_space<hbm>>
      tpu.wait_indirect_dma semaphore(%arg14 : memref<!tpu.dma_semaphore, #tpu.memory_space<semaphore_mem>>) src(%dma_wait3A_299 : memref<100000x128xf32, #tpu.memory_space<hbm>>) dst(%arg10 : memref<128x128xf32, #tpu.memory_space<vmem>>)
      %dma_wait3A_300 = arith.constant 6 : i32
      %dma_wait3A_301 = tpu.memref_slice %arg8[%dma_wait3A_300, %mul3A_60] : memref<16x1024xi32, #tpu.memory_space<vmem>> -> memref<1x128xi32, #tpu.memory_space<vmem>>
      %dma_wait3A_302 = tpu.memref_squeeze %dma_wait3A_301 : memref<1x128xi32, #tpu.memory_space<vmem>> -> memref<128xi32, #tpu.memory_space<vmem>>
      %dma_wait3A_303 = arith.constant 0 : i32
      %dma_wait3A_304 = arith.constant 0 : i32
      %dma_wait3A_305 = tpu.memref_slice %arg2[%dma_wait3A_303, %dma_wait3A_304] : memref<100000x128xf32, #tpu.memory_space<hbm>> -> memref<100000x128xf32, #tpu.memory_space<hbm>>
      tpu.wait_indirect_dma semaphore(%arg14 : memref<!tpu.dma_semaphore, #tpu.memory_space<semaphore_mem>>) src(%dma_wait3A_305 : memref<100000x128xf32, #tpu.memory_space<hbm>>) dst(%arg10 : memref<128x128xf32, #tpu.memory_space<vmem>>)
      %dma_wait3A_306 = arith.constant 7 : i32
      %dma_wait3A_307 = tpu.memref_slice %arg8[%dma_wait3A_306, %mul3A_60] : memref<16x1024xi32, #tpu.memory_space<vmem>> -> memref<1x128xi32, #tpu.memory_space<vmem>>
      %dma_wait3A_308 = tpu.memref_squeeze %dma_wait3A_307 : memref<1x128xi32, #tpu.memory_space<vmem>> -> memref<128xi32, #tpu.memory_space<vmem>>
      %dma_wait3A_309 = arith.constant 0 : i32
      %dma_wait3A_310 = arith.constant 0 : i32
      %dma_wait3A_311 = tpu.memref_slice %arg2[%dma_wait3A_309, %dma_wait3A_310] : memref<100000x128xf32, #tpu.memory_space<hbm>> -> memref<100000x128xf32, #tpu.memory_space<hbm>>
      tpu.wait_indirect_dma semaphore(%arg14 : memref<!tpu.dma_semaphore, #tpu.memory_space<semaphore_mem>>) src(%dma_wait3A_311 : memref<100000x128xf32, #tpu.memory_space<hbm>>) dst(%arg10 : memref<128x128xf32, #tpu.memory_space<vmem>>)
      %dma_wait3A_312 = arith.constant 8 : i32
      %dma_wait3A_313 = tpu.memref_slice %arg8[%dma_wait3A_312, %mul3A_60] : memref<16x1024xi32, #tpu.memory_space<vmem>> -> memref<1x128xi32, #tpu.memory_space<vmem>>
      %dma_wait3A_314 = tpu.memref_squeeze %dma_wait3A_313 : memref<1x128xi32, #tpu.memory_space<vmem>> -> memref<128xi32, #tpu.memory_space<vmem>>
      %dma_wait3A_315 = arith.constant 0 : i32
      %dma_wait3A_316 = arith.constant 0 : i32
      %dma_wait3A_317 = tpu.memref_slice %arg2[%dma_wait3A_315, %dma_wait3A_316] : memref<100000x128xf32, #tpu.memory_space<hbm>> -> memref<100000x128xf32, #tpu.memory_space<hbm>>
      tpu.wait_indirect_dma semaphore(%arg14 : memref<!tpu.dma_semaphore, #tpu.memory_space<semaphore_mem>>) src(%dma_wait3A_317 : memref<100000x128xf32, #tpu.memory_space<hbm>>) dst(%arg10 : memref<128x128xf32, #tpu.memory_space<vmem>>)
      %dma_wait3A_318 = arith.constant 9 : i32
      %dma_wait3A_319 = tpu.memref_slice %arg8[%dma_wait3A_318, %mul3A_60] : memref<16x1024xi32, #tpu.memory_space<vmem>> -> memref<1x128xi32, #tpu.memory_space<vmem>>
      %dma_wait3A_320 = tpu.memref_squeeze %dma_wait3A_319 : memref<1x128xi32, #tpu.memory_space<vmem>> -> memref<128xi32, #tpu.memory_space<vmem>>
      %dma_wait3A_321 = arith.constant 0 : i32
      %dma_wait3A_322 = arith.constant 0 : i32
      %dma_wait3A_323 = tpu.memref_slice %arg2[%dma_wait3A_321, %dma_wait3A_322] : memref<100000x128xf32, #tpu.memory_space<hbm>> -> memref<100000x128xf32, #tpu.memory_space<hbm>>
      tpu.wait_indirect_dma semaphore(%arg14 : memref<!tpu.dma_semaphore, #tpu.memory_space<semaphore_mem>>) src(%dma_wait3A_323 : memref<100000x128xf32, #tpu.memory_space<hbm>>) dst(%arg10 : memref<128x128xf32, #tpu.memory_space<vmem>>)
      %dma_wait3A_324 = arith.constant 10 : i32
      %dma_wait3A_325 = tpu.memref_slice %arg8[%dma_wait3A_324, %mul3A_60] : memref<16x1024xi32, #tpu.memory_space<vmem>> -> memref<1x128xi32, #tpu.memory_space<vmem>>
      %dma_wait3A_326 = tpu.memref_squeeze %dma_wait3A_325 : memref<1x128xi32, #tpu.memory_space<vmem>> -> memref<128xi32, #tpu.memory_space<vmem>>
      %dma_wait3A_327 = arith.constant 0 : i32
      %dma_wait3A_328 = arith.constant 0 : i32
      %dma_wait3A_329 = tpu.memref_slice %arg2[%dma_wait3A_327, %dma_wait3A_328] : memref<100000x128xf32, #tpu.memory_space<hbm>> -> memref<100000x128xf32, #tpu.memory_space<hbm>>
      tpu.wait_indirect_dma semaphore(%arg14 : memref<!tpu.dma_semaphore, #tpu.memory_space<semaphore_mem>>) src(%dma_wait3A_329 : memref<100000x128xf32, #tpu.memory_space<hbm>>) dst(%arg10 : memref<128x128xf32, #tpu.memory_space<vmem>>)
      %dma_wait3A_330 = arith.constant 11 : i32
      %dma_wait3A_331 = tpu.memref_slice %arg8[%dma_wait3A_330, %mul3A_60] : memref<16x1024xi32, #tpu.memory_space<vmem>> -> memref<1x128xi32, #tpu.memory_space<vmem>>
      %dma_wait3A_332 = tpu.memref_squeeze %dma_wait3A_331 : memref<1x128xi32, #tpu.memory_space<vmem>> -> memref<128xi32, #tpu.memory_space<vmem>>
      %dma_wait3A_333 = arith.constant 0 : i32
      %dma_wait3A_334 = arith.constant 0 : i32
      %dma_wait3A_335 = tpu.memref_slice %arg2[%dma_wait3A_333, %dma_wait3A_334] : memref<100000x128xf32, #tpu.memory_space<hbm>> -> memref<100000x128xf32, #tpu.memory_space<hbm>>
      tpu.wait_indirect_dma semaphore(%arg14 : memref<!tpu.dma_semaphore, #tpu.memory_space<semaphore_mem>>) src(%dma_wait3A_335 : memref<100000x128xf32, #tpu.memory_space<hbm>>) dst(%arg10 : memref<128x128xf32, #tpu.memory_space<vmem>>)
      %dma_wait3A_336 = arith.constant 12 : i32
      %dma_wait3A_337 = tpu.memref_slice %arg8[%dma_wait3A_336, %mul3A_60] : memref<16x1024xi32, #tpu.memory_space<vmem>> -> memref<1x128xi32, #tpu.memory_space<vmem>>
      %dma_wait3A_338 = tpu.memref_squeeze %dma_wait3A_337 : memref<1x128xi32, #tpu.memory_space<vmem>> -> memref<128xi32, #tpu.memory_space<vmem>>
      %dma_wait3A_339 = arith.constant 0 : i32
      %dma_wait3A_340 = arith.constant 0 : i32
      %dma_wait3A_341 = tpu.memref_slice %arg2[%dma_wait3A_339, %dma_wait3A_340] : memref<100000x128xf32, #tpu.memory_space<hbm>> -> memref<100000x128xf32, #tpu.memory_space<hbm>>
      tpu.wait_indirect_dma semaphore(%arg14 : memref<!tpu.dma_semaphore, #tpu.memory_space<semaphore_mem>>) src(%dma_wait3A_341 : memref<100000x128xf32, #tpu.memory_space<hbm>>) dst(%arg10 : memref<128x128xf32, #tpu.memory_space<vmem>>)
      %dma_wait3A_342 = arith.constant 13 : i32
      %dma_wait3A_343 = tpu.memref_slice %arg8[%dma_wait3A_342, %mul3A_60] : memref<16x1024xi32, #tpu.memory_space<vmem>> -> memref<1x128xi32, #tpu.memory_space<vmem>>
      %dma_wait3A_344 = tpu.memref_squeeze %dma_wait3A_343 : memref<1x128xi32, #tpu.memory_space<vmem>> -> memref<128xi32, #tpu.memory_space<vmem>>
      %dma_wait3A_345 = arith.constant 0 : i32
      %dma_wait3A_346 = arith.constant 0 : i32
      %dma_wait3A_347 = tpu.memref_slice %arg2[%dma_wait3A_345, %dma_wait3A_346] : memref<100000x128xf32, #tpu.memory_space<hbm>> -> memref<100000x128xf32, #tpu.memory_space<hbm>>
      tpu.wait_indirect_dma semaphore(%arg14 : memref<!tpu.dma_semaphore, #tpu.memory_space<semaphore_mem>>) src(%dma_wait3A_347 : memref<100000x128xf32, #tpu.memory_space<hbm>>) dst(%arg10 : memref<128x128xf32, #tpu.memory_space<vmem>>)
      %dma_wait3A_348 = arith.constant 14 : i32
      %dma_wait3A_349 = tpu.memref_slice %arg8[%dma_wait3A_348, %mul3A_60] : memref<16x1024xi32, #tpu.memory_space<vmem>> -> memref<1x128xi32, #tpu.memory_space<vmem>>
      %dma_wait3A_350 = tpu.memref_squeeze %dma_wait3A_349 : memref<1x128xi32, #tpu.memory_space<vmem>> -> memref<128xi32, #tpu.memory_space<vmem>>
      %dma_wait3A_351 = arith.constant 0 : i32
      %dma_wait3A_352 = arith.constant 0 : i32
      %dma_wait3A_353 = tpu.memref_slice %arg2[%dma_wait3A_351, %dma_wait3A_352] : memref<100000x128xf32, #tpu.memory_space<hbm>> -> memref<100000x128xf32, #tpu.memory_space<hbm>>
      tpu.wait_indirect_dma semaphore(%arg14 : memref<!tpu.dma_semaphore, #tpu.memory_space<semaphore_mem>>) src(%dma_wait3A_353 : memref<100000x128xf32, #tpu.memory_space<hbm>>) dst(%arg10 : memref<128x128xf32, #tpu.memory_space<vmem>>)
      %dma_wait3A_354 = arith.constant 15 : i32
      %dma_wait3A_355 = tpu.memref_slice %arg8[%dma_wait3A_354, %mul3A_60] : memref<16x1024xi32, #tpu.memory_space<vmem>> -> memref<1x128xi32, #tpu.memory_space<vmem>>
      %dma_wait3A_356 = tpu.memref_squeeze %dma_wait3A_355 : memref<1x128xi32, #tpu.memory_space<vmem>> -> memref<128xi32, #tpu.memory_space<vmem>>
      %dma_wait3A_357 = arith.constant 0 : i32
      %dma_wait3A_358 = arith.constant 0 : i32
      %dma_wait3A_359 = tpu.memref_slice %arg2[%dma_wait3A_357, %dma_wait3A_358] : memref<100000x128xf32, #tpu.memory_space<hbm>> -> memref<100000x128xf32, #tpu.memory_space<hbm>>
      tpu.wait_indirect_dma semaphore(%arg14 : memref<!tpu.dma_semaphore, #tpu.memory_space<semaphore_mem>>) src(%dma_wait3A_359 : memref<100000x128xf32, #tpu.memory_space<hbm>>) dst(%arg10 : memref<128x128xf32, #tpu.memory_space<vmem>>)
      %add3A_360 = arith.addi %mul3A_2, %mul3A_264 : i32
      "tpu.region"() ({
        %run_scoped3A = tpu.sem_alloc : memref<!tpu.dma_semaphore, #tpu.memory_space<semaphore_mem>>
        %dma_start3A_463 = arith.constant 0 : i32
        %dma_start3A_464 = tpu.memref_slice %arg6[%add3A_360, %dma_start3A_463] : memref<32768x128xf32, #tpu.memory_space<hbm>> -> memref<128x128xf32, #tpu.memory_space<hbm>>
        %dma_start3A_465 = arith.constant 0 : i32
        %dma_start3A_466 = tpu.memref_slice %arg6[%add3A_360, %dma_start3A_465] : memref<32768x128xf32, #tpu.memory_space<hbm>> -> memref<128x128xf32, #tpu.memory_space<hbm>>
        tpu.enqueue_dma source(%arg10 : memref<128x128xf32, #tpu.memory_space<vmem>>) target(%dma_start3A_466 : memref<128x128xf32, #tpu.memory_space<hbm>>) target_semaphore(%run_scoped3A : memref<!tpu.dma_semaphore, #tpu.memory_space<semaphore_mem>>)
        %dma_wait3A_467 = arith.constant 0 : i32
        %dma_wait3A_468 = tpu.memref_slice %arg6[%add3A_360, %dma_wait3A_467] : memref<32768x128xf32, #tpu.memory_space<hbm>> -> memref<128x128xf32, #tpu.memory_space<hbm>>
        %dma_wait3A_469 = arith.constant 0 : i32
        %dma_wait3A_470 = tpu.memref_slice %arg6[%add3A_360, %dma_wait3A_469] : memref<32768x128xf32, #tpu.memory_space<hbm>> -> memref<128x128xf32, #tpu.memory_space<hbm>>
        tpu.wait_dma2 semaphore(%run_scoped3A : memref<!tpu.dma_semaphore, #tpu.memory_space<semaphore_mem>>) src(%arg10 : memref<128x128xf32, #tpu.memory_space<vmem>>) dst(%dma_wait3A_470 : memref<128x128xf32, #tpu.memory_space<hbm>>)
        tpu.yield
      }) : () -> ()
      %mul3A_361 = arith.constant 2 : i32
      %mul3A_362 = arith.muli %mul3A_361, %scan3A_22 : i32
      %add3A_363 = arith.constant 1 : i32
      %add3A_364 = arith.addi %mul3A_362, %add3A_363 : i32
      %mul3A_365 = arith.constant 128 : i32
      %mul3A_366 = arith.muli %add3A_364, %mul3A_365 : i32
      %dma_wait3A_367 = tpu.memref_slice %arg7[%mul3A_44] : memref<1024xi32, #tpu.memory_space<vmem>> -> memref<128xi32, #tpu.memory_space<vmem>>
      %dma_wait3A_368 = arith.constant 0 : i32
      %dma_wait3A_369 = arith.constant 0 : i32
      %dma_wait3A_370 = tpu.memref_slice %arg2[%dma_wait3A_368, %dma_wait3A_369] : memref<100000x128xf32, #tpu.memory_space<hbm>> -> memref<100000x128xf32, #tpu.memory_space<hbm>>
      tpu.wait_indirect_dma semaphore(%arg17 : memref<!tpu.dma_semaphore, #tpu.memory_space<semaphore_mem>>) src(%dma_wait3A_370 : memref<100000x128xf32, #tpu.memory_space<hbm>>) dst(%arg11 : memref<128x128xf32, #tpu.memory_space<vmem>>)
      %add3A_371 = arith.addi %mul3A_2, %mul3A_366 : i32
      "tpu.region"() ({
        %run_scoped3A = tpu.sem_alloc : memref<!tpu.dma_semaphore, #tpu.memory_space<semaphore_mem>>
        %dma_start3A_463 = arith.constant 0 : i32
        %dma_start3A_464 = tpu.memref_slice %arg5[%add3A_371, %dma_start3A_463] : memref<32768x128xf32, #tpu.memory_space<hbm>> -> memref<128x128xf32, #tpu.memory_space<hbm>>
        %dma_start3A_465 = arith.constant 0 : i32
        %dma_start3A_466 = tpu.memref_slice %arg5[%add3A_371, %dma_start3A_465] : memref<32768x128xf32, #tpu.memory_space<hbm>> -> memref<128x128xf32, #tpu.memory_space<hbm>>
        tpu.enqueue_dma source(%arg11 : memref<128x128xf32, #tpu.memory_space<vmem>>) target(%dma_start3A_466 : memref<128x128xf32, #tpu.memory_space<hbm>>) target_semaphore(%run_scoped3A : memref<!tpu.dma_semaphore, #tpu.memory_space<semaphore_mem>>)
        %dma_wait3A_467 = arith.constant 0 : i32
        %dma_wait3A_468 = tpu.memref_slice %arg5[%add3A_371, %dma_wait3A_467] : memref<32768x128xf32, #tpu.memory_space<hbm>> -> memref<128x128xf32, #tpu.memory_space<hbm>>
        %dma_wait3A_469 = arith.constant 0 : i32
        %dma_wait3A_470 = tpu.memref_slice %arg5[%add3A_371, %dma_wait3A_469] : memref<32768x128xf32, #tpu.memory_space<hbm>> -> memref<128x128xf32, #tpu.memory_space<hbm>>
        tpu.wait_dma2 semaphore(%run_scoped3A : memref<!tpu.dma_semaphore, #tpu.memory_space<semaphore_mem>>) src(%arg11 : memref<128x128xf32, #tpu.memory_space<vmem>>) dst(%dma_wait3A_470 : memref<128x128xf32, #tpu.memory_space<hbm>>)
        tpu.yield
      }) : () -> ()
      %dma_wait3A_372 = arith.constant 1 : i32
      %dma_wait3A_373 = tpu.memref_slice %arg8[%dma_wait3A_372, %mul3A_162] : memref<16x1024xi32, #tpu.memory_space<vmem>> -> memref<1x128xi32, #tpu.memory_space<vmem>>
      %dma_wait3A_374 = tpu.memref_squeeze %dma_wait3A_373 : memref<1x128xi32, #tpu.memory_space<vmem>> -> memref<128xi32, #tpu.memory_space<vmem>>
      %dma_wait3A_375 = arith.constant 0 : i32
      %dma_wait3A_376 = arith.constant 0 : i32
      %dma_wait3A_377 = tpu.memref_slice %arg2[%dma_wait3A_375, %dma_wait3A_376] : memref<100000x128xf32, #tpu.memory_space<hbm>> -> memref<100000x128xf32, #tpu.memory_space<hbm>>
      tpu.wait_indirect_dma semaphore(%arg15 : memref<!tpu.dma_semaphore, #tpu.memory_space<semaphore_mem>>) src(%dma_wait3A_377 : memref<100000x128xf32, #tpu.memory_space<hbm>>) dst(%arg12 : memref<128x128xf32, #tpu.memory_space<vmem>>)
      %dma_wait3A_378 = arith.constant 2 : i32
      %dma_wait3A_379 = tpu.memref_slice %arg8[%dma_wait3A_378, %mul3A_162] : memref<16x1024xi32, #tpu.memory_space<vmem>> -> memref<1x128xi32, #tpu.memory_space<vmem>>
      %dma_wait3A_380 = tpu.memref_squeeze %dma_wait3A_379 : memref<1x128xi32, #tpu.memory_space<vmem>> -> memref<128xi32, #tpu.memory_space<vmem>>
      %dma_wait3A_381 = arith.constant 0 : i32
      %dma_wait3A_382 = arith.constant 0 : i32
      %dma_wait3A_383 = tpu.memref_slice %arg2[%dma_wait3A_381, %dma_wait3A_382] : memref<100000x128xf32, #tpu.memory_space<hbm>> -> memref<100000x128xf32, #tpu.memory_space<hbm>>
      tpu.wait_indirect_dma semaphore(%arg15 : memref<!tpu.dma_semaphore, #tpu.memory_space<semaphore_mem>>) src(%dma_wait3A_383 : memref<100000x128xf32, #tpu.memory_space<hbm>>) dst(%arg12 : memref<128x128xf32, #tpu.memory_space<vmem>>)
      %dma_wait3A_384 = arith.constant 3 : i32
      %dma_wait3A_385 = tpu.memref_slice %arg8[%dma_wait3A_384, %mul3A_162] : memref<16x1024xi32, #tpu.memory_space<vmem>> -> memref<1x128xi32, #tpu.memory_space<vmem>>
      %dma_wait3A_386 = tpu.memref_squeeze %dma_wait3A_385 : memref<1x128xi32, #tpu.memory_space<vmem>> -> memref<128xi32, #tpu.memory_space<vmem>>
      %dma_wait3A_387 = arith.constant 0 : i32
      %dma_wait3A_388 = arith.constant 0 : i32
      %dma_wait3A_389 = tpu.memref_slice %arg2[%dma_wait3A_387, %dma_wait3A_388] : memref<100000x128xf32, #tpu.memory_space<hbm>> -> memref<100000x128xf32, #tpu.memory_space<hbm>>
      tpu.wait_indirect_dma semaphore(%arg15 : memref<!tpu.dma_semaphore, #tpu.memory_space<semaphore_mem>>) src(%dma_wait3A_389 : memref<100000x128xf32, #tpu.memory_space<hbm>>) dst(%arg12 : memref<128x128xf32, #tpu.memory_space<vmem>>)
      %dma_wait3A_390 = arith.constant 4 : i32
      %dma_wait3A_391 = tpu.memref_slice %arg8[%dma_wait3A_390, %mul3A_162] : memref<16x1024xi32, #tpu.memory_space<vmem>> -> memref<1x128xi32, #tpu.memory_space<vmem>>
      %dma_wait3A_392 = tpu.memref_squeeze %dma_wait3A_391 : memref<1x128xi32, #tpu.memory_space<vmem>> -> memref<128xi32, #tpu.memory_space<vmem>>
      %dma_wait3A_393 = arith.constant 0 : i32
      %dma_wait3A_394 = arith.constant 0 : i32
      %dma_wait3A_395 = tpu.memref_slice %arg2[%dma_wait3A_393, %dma_wait3A_394] : memref<100000x128xf32, #tpu.memory_space<hbm>> -> memref<100000x128xf32, #tpu.memory_space<hbm>>
      tpu.wait_indirect_dma semaphore(%arg15 : memref<!tpu.dma_semaphore, #tpu.memory_space<semaphore_mem>>) src(%dma_wait3A_395 : memref<100000x128xf32, #tpu.memory_space<hbm>>) dst(%arg12 : memref<128x128xf32, #tpu.memory_space<vmem>>)
      %dma_wait3A_396 = arith.constant 5 : i32
      %dma_wait3A_397 = tpu.memref_slice %arg8[%dma_wait3A_396, %mul3A_162] : memref<16x1024xi32, #tpu.memory_space<vmem>> -> memref<1x128xi32, #tpu.memory_space<vmem>>
      %dma_wait3A_398 = tpu.memref_squeeze %dma_wait3A_397 : memref<1x128xi32, #tpu.memory_space<vmem>> -> memref<128xi32, #tpu.memory_space<vmem>>
      %dma_wait3A_399 = arith.constant 0 : i32
      %dma_wait3A_400 = arith.constant 0 : i32
      %dma_wait3A_401 = tpu.memref_slice %arg2[%dma_wait3A_399, %dma_wait3A_400] : memref<100000x128xf32, #tpu.memory_space<hbm>> -> memref<100000x128xf32, #tpu.memory_space<hbm>>
      tpu.wait_indirect_dma semaphore(%arg15 : memref<!tpu.dma_semaphore, #tpu.memory_space<semaphore_mem>>) src(%dma_wait3A_401 : memref<100000x128xf32, #tpu.memory_space<hbm>>) dst(%arg12 : memref<128x128xf32, #tpu.memory_space<vmem>>)
      %dma_wait3A_402 = arith.constant 6 : i32
      %dma_wait3A_403 = tpu.memref_slice %arg8[%dma_wait3A_402, %mul3A_162] : memref<16x1024xi32, #tpu.memory_space<vmem>> -> memref<1x128xi32, #tpu.memory_space<vmem>>
      %dma_wait3A_404 = tpu.memref_squeeze %dma_wait3A_403 : memref<1x128xi32, #tpu.memory_space<vmem>> -> memref<128xi32, #tpu.memory_space<vmem>>
      %dma_wait3A_405 = arith.constant 0 : i32
      %dma_wait3A_406 = arith.constant 0 : i32
      %dma_wait3A_407 = tpu.memref_slice %arg2[%dma_wait3A_405, %dma_wait3A_406] : memref<100000x128xf32, #tpu.memory_space<hbm>> -> memref<100000x128xf32, #tpu.memory_space<hbm>>
      tpu.wait_indirect_dma semaphore(%arg15 : memref<!tpu.dma_semaphore, #tpu.memory_space<semaphore_mem>>) src(%dma_wait3A_407 : memref<100000x128xf32, #tpu.memory_space<hbm>>) dst(%arg12 : memref<128x128xf32, #tpu.memory_space<vmem>>)
      %dma_wait3A_408 = arith.constant 7 : i32
      %dma_wait3A_409 = tpu.memref_slice %arg8[%dma_wait3A_408, %mul3A_162] : memref<16x1024xi32, #tpu.memory_space<vmem>> -> memref<1x128xi32, #tpu.memory_space<vmem>>
      %dma_wait3A_410 = tpu.memref_squeeze %dma_wait3A_409 : memref<1x128xi32, #tpu.memory_space<vmem>> -> memref<128xi32, #tpu.memory_space<vmem>>
      %dma_wait3A_411 = arith.constant 0 : i32
      %dma_wait3A_412 = arith.constant 0 : i32
      %dma_wait3A_413 = tpu.memref_slice %arg2[%dma_wait3A_411, %dma_wait3A_412] : memref<100000x128xf32, #tpu.memory_space<hbm>> -> memref<100000x128xf32, #tpu.memory_space<hbm>>
      tpu.wait_indirect_dma semaphore(%arg15 : memref<!tpu.dma_semaphore, #tpu.memory_space<semaphore_mem>>) src(%dma_wait3A_413 : memref<100000x128xf32, #tpu.memory_space<hbm>>) dst(%arg12 : memref<128x128xf32, #tpu.memory_space<vmem>>)
      %dma_wait3A_414 = arith.constant 8 : i32
      %dma_wait3A_415 = tpu.memref_slice %arg8[%dma_wait3A_414, %mul3A_162] : memref<16x1024xi32, #tpu.memory_space<vmem>> -> memref<1x128xi32, #tpu.memory_space<vmem>>
      %dma_wait3A_416 = tpu.memref_squeeze %dma_wait3A_415 : memref<1x128xi32, #tpu.memory_space<vmem>> -> memref<128xi32, #tpu.memory_space<vmem>>
      %dma_wait3A_417 = arith.constant 0 : i32
      %dma_wait3A_418 = arith.constant 0 : i32
      %dma_wait3A_419 = tpu.memref_slice %arg2[%dma_wait3A_417, %dma_wait3A_418] : memref<100000x128xf32, #tpu.memory_space<hbm>> -> memref<100000x128xf32, #tpu.memory_space<hbm>>
      tpu.wait_indirect_dma semaphore(%arg15 : memref<!tpu.dma_semaphore, #tpu.memory_space<semaphore_mem>>) src(%dma_wait3A_419 : memref<100000x128xf32, #tpu.memory_space<hbm>>) dst(%arg12 : memref<128x128xf32, #tpu.memory_space<vmem>>)
      %dma_wait3A_420 = arith.constant 9 : i32
      %dma_wait3A_421 = tpu.memref_slice %arg8[%dma_wait3A_420, %mul3A_162] : memref<16x1024xi32, #tpu.memory_space<vmem>> -> memref<1x128xi32, #tpu.memory_space<vmem>>
      %dma_wait3A_422 = tpu.memref_squeeze %dma_wait3A_421 : memref<1x128xi32, #tpu.memory_space<vmem>> -> memref<128xi32, #tpu.memory_space<vmem>>
      %dma_wait3A_423 = arith.constant 0 : i32
      %dma_wait3A_424 = arith.constant 0 : i32
      %dma_wait3A_425 = tpu.memref_slice %arg2[%dma_wait3A_423, %dma_wait3A_424] : memref<100000x128xf32, #tpu.memory_space<hbm>> -> memref<100000x128xf32, #tpu.memory_space<hbm>>
      tpu.wait_indirect_dma semaphore(%arg15 : memref<!tpu.dma_semaphore, #tpu.memory_space<semaphore_mem>>) src(%dma_wait3A_425 : memref<100000x128xf32, #tpu.memory_space<hbm>>) dst(%arg12 : memref<128x128xf32, #tpu.memory_space<vmem>>)
      %dma_wait3A_426 = arith.constant 10 : i32
      %dma_wait3A_427 = tpu.memref_slice %arg8[%dma_wait3A_426, %mul3A_162] : memref<16x1024xi32, #tpu.memory_space<vmem>> -> memref<1x128xi32, #tpu.memory_space<vmem>>
      %dma_wait3A_428 = tpu.memref_squeeze %dma_wait3A_427 : memref<1x128xi32, #tpu.memory_space<vmem>> -> memref<128xi32, #tpu.memory_space<vmem>>
      %dma_wait3A_429 = arith.constant 0 : i32
      %dma_wait3A_430 = arith.constant 0 : i32
      %dma_wait3A_431 = tpu.memref_slice %arg2[%dma_wait3A_429, %dma_wait3A_430] : memref<100000x128xf32, #tpu.memory_space<hbm>> -> memref<100000x128xf32, #tpu.memory_space<hbm>>
      tpu.wait_indirect_dma semaphore(%arg15 : memref<!tpu.dma_semaphore, #tpu.memory_space<semaphore_mem>>) src(%dma_wait3A_431 : memref<100000x128xf32, #tpu.memory_space<hbm>>) dst(%arg12 : memref<128x128xf32, #tpu.memory_space<vmem>>)
      %dma_wait3A_432 = arith.constant 11 : i32
      %dma_wait3A_433 = tpu.memref_slice %arg8[%dma_wait3A_432, %mul3A_162] : memref<16x1024xi32, #tpu.memory_space<vmem>> -> memref<1x128xi32, #tpu.memory_space<vmem>>
      %dma_wait3A_434 = tpu.memref_squeeze %dma_wait3A_433 : memref<1x128xi32, #tpu.memory_space<vmem>> -> memref<128xi32, #tpu.memory_space<vmem>>
      %dma_wait3A_435 = arith.constant 0 : i32
      %dma_wait3A_436 = arith.constant 0 : i32
      %dma_wait3A_437 = tpu.memref_slice %arg2[%dma_wait3A_435, %dma_wait3A_436] : memref<100000x128xf32, #tpu.memory_space<hbm>> -> memref<100000x128xf32, #tpu.memory_space<hbm>>
      tpu.wait_indirect_dma semaphore(%arg15 : memref<!tpu.dma_semaphore, #tpu.memory_space<semaphore_mem>>) src(%dma_wait3A_437 : memref<100000x128xf32, #tpu.memory_space<hbm>>) dst(%arg12 : memref<128x128xf32, #tpu.memory_space<vmem>>)
      %dma_wait3A_438 = arith.constant 12 : i32
      %dma_wait3A_439 = tpu.memref_slice %arg8[%dma_wait3A_438, %mul3A_162] : memref<16x1024xi32, #tpu.memory_space<vmem>> -> memref<1x128xi32, #tpu.memory_space<vmem>>
      %dma_wait3A_440 = tpu.memref_squeeze %dma_wait3A_439 : memref<1x128xi32, #tpu.memory_space<vmem>> -> memref<128xi32, #tpu.memory_space<vmem>>
      %dma_wait3A_441 = arith.constant 0 : i32
      %dma_wait3A_442 = arith.constant 0 : i32
      %dma_wait3A_443 = tpu.memref_slice %arg2[%dma_wait3A_441, %dma_wait3A_442] : memref<100000x128xf32, #tpu.memory_space<hbm>> -> memref<100000x128xf32, #tpu.memory_space<hbm>>
      tpu.wait_indirect_dma semaphore(%arg15 : memref<!tpu.dma_semaphore, #tpu.memory_space<semaphore_mem>>) src(%dma_wait3A_443 : memref<100000x128xf32, #tpu.memory_space<hbm>>) dst(%arg12 : memref<128x128xf32, #tpu.memory_space<vmem>>)
      %dma_wait3A_444 = arith.constant 13 : i32
      %dma_wait3A_445 = tpu.memref_slice %arg8[%dma_wait3A_444, %mul3A_162] : memref<16x1024xi32, #tpu.memory_space<vmem>> -> memref<1x128xi32, #tpu.memory_space<vmem>>
      %dma_wait3A_446 = tpu.memref_squeeze %dma_wait3A_445 : memref<1x128xi32, #tpu.memory_space<vmem>> -> memref<128xi32, #tpu.memory_space<vmem>>
      %dma_wait3A_447 = arith.constant 0 : i32
      %dma_wait3A_448 = arith.constant 0 : i32
      %dma_wait3A_449 = tpu.memref_slice %arg2[%dma_wait3A_447, %dma_wait3A_448] : memref<100000x128xf32, #tpu.memory_space<hbm>> -> memref<100000x128xf32, #tpu.memory_space<hbm>>
      tpu.wait_indirect_dma semaphore(%arg15 : memref<!tpu.dma_semaphore, #tpu.memory_space<semaphore_mem>>) src(%dma_wait3A_449 : memref<100000x128xf32, #tpu.memory_space<hbm>>) dst(%arg12 : memref<128x128xf32, #tpu.memory_space<vmem>>)
      %dma_wait3A_450 = arith.constant 14 : i32
      %dma_wait3A_451 = tpu.memref_slice %arg8[%dma_wait3A_450, %mul3A_162] : memref<16x1024xi32, #tpu.memory_space<vmem>> -> memref<1x128xi32, #tpu.memory_space<vmem>>
      %dma_wait3A_452 = tpu.memref_squeeze %dma_wait3A_451 : memref<1x128xi32, #tpu.memory_space<vmem>> -> memref<128xi32, #tpu.memory_space<vmem>>
      %dma_wait3A_453 = arith.constant 0 : i32
      %dma_wait3A_454 = arith.constant 0 : i32
      %dma_wait3A_455 = tpu.memref_slice %arg2[%dma_wait3A_453, %dma_wait3A_454] : memref<100000x128xf32, #tpu.memory_space<hbm>> -> memref<100000x128xf32, #tpu.memory_space<hbm>>
      tpu.wait_indirect_dma semaphore(%arg15 : memref<!tpu.dma_semaphore, #tpu.memory_space<semaphore_mem>>) src(%dma_wait3A_455 : memref<100000x128xf32, #tpu.memory_space<hbm>>) dst(%arg12 : memref<128x128xf32, #tpu.memory_space<vmem>>)
      %dma_wait3A_456 = arith.constant 15 : i32
      %dma_wait3A_457 = tpu.memref_slice %arg8[%dma_wait3A_456, %mul3A_162] : memref<16x1024xi32, #tpu.memory_space<vmem>> -> memref<1x128xi32, #tpu.memory_space<vmem>>
      %dma_wait3A_458 = tpu.memref_squeeze %dma_wait3A_457 : memref<1x128xi32, #tpu.memory_space<vmem>> -> memref<128xi32, #tpu.memory_space<vmem>>
      %dma_wait3A_459 = arith.constant 0 : i32
      %dma_wait3A_460 = arith.constant 0 : i32
      %dma_wait3A_461 = tpu.memref_slice %arg2[%dma_wait3A_459, %dma_wait3A_460] : memref<100000x128xf32, #tpu.memory_space<hbm>> -> memref<100000x128xf32, #tpu.memory_space<hbm>>
      tpu.wait_indirect_dma semaphore(%arg15 : memref<!tpu.dma_semaphore, #tpu.memory_space<semaphore_mem>>) src(%dma_wait3A_461 : memref<100000x128xf32, #tpu.memory_space<hbm>>) dst(%arg12 : memref<128x128xf32, #tpu.memory_space<vmem>>)
      %add3A_462 = arith.addi %mul3A_2, %mul3A_366 : i32
      "tpu.region"() ({
        %run_scoped3A = tpu.sem_alloc : memref<!tpu.dma_semaphore, #tpu.memory_space<semaphore_mem>>
        %dma_start3A_463 = arith.constant 0 : i32
        %dma_start3A_464 = tpu.memref_slice %arg6[%add3A_462, %dma_start3A_463] : memref<32768x128xf32, #tpu.memory_space<hbm>> -> memref<128x128xf32, #tpu.memory_space<hbm>>
        %dma_start3A_465 = arith.constant 0 : i32
        %dma_start3A_466 = tpu.memref_slice %arg6[%add3A_462, %dma_start3A_465] : memref<32768x128xf32, #tpu.memory_space<hbm>> -> memref<128x128xf32, #tpu.memory_space<hbm>>
        tpu.enqueue_dma source(%arg12 : memref<128x128xf32, #tpu.memory_space<vmem>>) target(%dma_start3A_466 : memref<128x128xf32, #tpu.memory_space<hbm>>) target_semaphore(%run_scoped3A : memref<!tpu.dma_semaphore, #tpu.memory_space<semaphore_mem>>)
        %dma_wait3A_467 = arith.constant 0 : i32
        %dma_wait3A_468 = tpu.memref_slice %arg6[%add3A_462, %dma_wait3A_467] : memref<32768x128xf32, #tpu.memory_space<hbm>> -> memref<128x128xf32, #tpu.memory_space<hbm>>
        %dma_wait3A_469 = arith.constant 0 : i32
        %dma_wait3A_470 = tpu.memref_slice %arg6[%add3A_462, %dma_wait3A_469] : memref<32768x128xf32, #tpu.memory_space<hbm>> -> memref<128x128xf32, #tpu.memory_space<hbm>>
        tpu.wait_dma2 semaphore(%run_scoped3A : memref<!tpu.dma_semaphore, #tpu.memory_space<semaphore_mem>>) src(%arg12 : memref<128x128xf32, #tpu.memory_space<vmem>>) dst(%dma_wait3A_470 : memref<128x128xf32, #tpu.memory_space<hbm>>)
        tpu.yield
      }) : () -> ()
    }
    %scan3A_21 = arith.constant 4 : i32
    return
  }
}

module attributes {stable_mosaic.version = 14 : i64} {
  func.func @_tc_body(%arg0: i32, %arg1: memref<8192x128xf32, #tpu.memory_space<vmem>>, %arg2: memref<8192x128xf32, #tpu.memory_space<vmem>>, %arg3: memref<128x128xf32, #tpu.memory_space<vmem>>, %arg4: memref<128x128xf32, #tpu.memory_space<vmem>>, %arg5: memref<128x2xf32, #tpu.memory_space<vmem>>, %arg6: memref<8192x2xf32, #tpu.memory_space<vmem>>) attributes {dimension_semantics = [#tpu.dimension_semantics<arbitrary>], iteration_bounds = array<i64: 4>, scalar_prefetch = 0 : i64, scratch_operands = 0 : i64, tpu.core_type = #tpu.core_type<tc>, window_params = [{transform_indices = @transform_0, window_bounds = array<i64: 8192, 128>}, {transform_indices = @transform_1, window_bounds = array<i64: 8192, 128>}, {pipeline_mode = #tpu.pipeline_mode<synchronous>, transform_indices = @transform_2, window_bounds = array<i64: 128, 128>}, {pipeline_mode = #tpu.pipeline_mode<synchronous>, transform_indices = @transform_3, window_bounds = array<i64: 128, 128>}, {pipeline_mode = #tpu.pipeline_mode<synchronous>, transform_indices = @transform_4, window_bounds = array<i64: 128, 2>}, {transform_indices = @transform_5, window_bounds = array<i64: 8192, 2>}]} {
    %get3A = arith.constant 0 : index
    %get3A_0 = arith.constant 0 : index
    %get3A_1 = vector.load %arg1[%get3A, %get3A_0] : memref<8192x128xf32, #tpu.memory_space<vmem>>, vector<8192x128xf32>
    %get3A_2 = arith.constant 0 : index
    %get3A_3 = arith.constant 0 : index
    %get3A_4 = vector.load %arg3[%get3A_2, %get3A_3] : memref<128x128xf32, #tpu.memory_space<vmem>>, vector<128x128xf32>
    %dot_general3A = arith.constant dense<0.000000e+00> : vector<8192x128xf32>
    %dot_general3A_5 = tpu.matmul %get3A_1, %get3A_4, %dot_general3A {dimension_numbers = #tpu.dot_dimension_numbers<[1], [0], [0], [1], [0, 0, 1, 1], [], []>, transpose_lhs_hint = false} : vector<8192x128xf32>, vector<128x128xf32>, vector<8192x128xf32> -> vector<8192x128xf32>
    %get3A_6 = arith.constant 0 : index
    %get3A_7 = arith.constant 0 : index
    %get3A_8 = vector.load %arg2[%get3A_6, %get3A_7] : memref<8192x128xf32, #tpu.memory_space<vmem>>, vector<8192x128xf32>
    %mul3A = arith.constant 6.250000e-02 : f32
    %mul3A_9 = vector.broadcast %mul3A : f32 to vector<8192x128xf32>
    %mul3A_10 = arith.mulf %get3A_8, %mul3A_9 : vector<8192x128xf32>
    %get3A_11 = arith.constant 0 : index
    %get3A_12 = arith.constant 0 : index
    %get3A_13 = vector.load %arg4[%get3A_11, %get3A_12] : memref<128x128xf32, #tpu.memory_space<vmem>>, vector<128x128xf32>
    %dot_general3A_14 = arith.constant dense<0.000000e+00> : vector<8192x128xf32>
    %dot_general3A_15 = tpu.matmul %mul3A_10, %get3A_13, %dot_general3A_14 {dimension_numbers = #tpu.dot_dimension_numbers<[1], [0], [0], [1], [0, 0, 1, 1], [], []>, transpose_lhs_hint = false} : vector<8192x128xf32>, vector<128x128xf32>, vector<8192x128xf32> -> vector<8192x128xf32>
    %add3A = arith.addf %dot_general3A_5, %dot_general3A_15 : vector<8192x128xf32>
    %max3A = arith.constant 0.000000e+00 : f32
    %max3A_16 = vector.broadcast %max3A : f32 to vector<8192x128xf32>
    %max3A_17 = arith.maximumf %add3A, %max3A_16 : vector<8192x128xf32>
    %get3A_18 = arith.constant 0 : index
    %get3A_19 = arith.constant 0 : index
    %get3A_20 = vector.load %arg5[%get3A_18, %get3A_19] : memref<128x2xf32, #tpu.memory_space<vmem>>, vector<128x2xf32>
    %dot_general3A_21 = arith.constant dense<0.000000e+00> : vector<8192x2xf32>
    %dot_general3A_22 = tpu.matmul %max3A_17, %get3A_20, %dot_general3A_21 {dimension_numbers = #tpu.dot_dimension_numbers<[1], [0], [0], [1], [0, 0, 1, 1], [], []>, transpose_lhs_hint = false} : vector<8192x128xf32>, vector<128x2xf32>, vector<8192x2xf32> -> vector<8192x2xf32>
    %swap3A = arith.constant 0 : index
    %swap3A_23 = arith.constant 0 : index
    %swap3A_24 = vector.load %arg6[%swap3A, %swap3A_23] : memref<8192x2xf32, #tpu.memory_space<vmem>>, vector<8192x2xf32>
    tpu.vector_store %arg6[%swap3A, %swap3A_23], %dot_general3A_22 {strides = array<i32>} : memref<8192x2xf32, #tpu.memory_space<vmem>>, vector<8192x2xf32>,
    return
  }
  func.func @transform_0(%arg0: i32) -> (i32, i32) {
    %c0_i32 = arith.constant 0 : i32
    %c0_i32_0 = arith.constant 0 : i32
    return %arg0, %c0_i32 : i32, i32
  }
  func.func @transform_1(%arg0: i32) -> (i32, i32) {
    %c0_i32 = arith.constant 0 : i32
    %c0_i32_0 = arith.constant 0 : i32
    return %arg0, %c0_i32 : i32, i32
  }
  func.func @transform_2(%arg0: i32) -> (i32, i32) {
    %c0_i32 = arith.constant 0 : i32
    %c0_i32_0 = arith.constant 0 : i32
    %c0_i32_1 = arith.constant 0 : i32
    return %c0_i32, %c0_i32_0 : i32, i32
  }
  func.func @transform_3(%arg0: i32) -> (i32, i32) {
    %c0_i32 = arith.constant 0 : i32
    %c0_i32_0 = arith.constant 0 : i32
    %c0_i32_1 = arith.constant 0 : i32
    return %c0_i32, %c0_i32_0 : i32, i32
  }
  func.func @transform_4(%arg0: i32) -> (i32, i32) {
    %c0_i32 = arith.constant 0 : i32
    %c0_i32_0 = arith.constant 0 : i32
    %c0_i32_1 = arith.constant 0 : i32
    return %c0_i32, %c0_i32_0 : i32, i32
  }
  func.func @transform_5(%arg0: i32) -> (i32, i32) {
    %c0_i32 = arith.constant 0 : i32
    %c0_i32_0 = arith.constant 0 : i32
    return %arg0, %c0_i32 : i32, i32
  }
}

</mosaic_0001>

<sc_bundles>
// kernel: kernel.4.cloned.1.call-start
scs
__scs_entry_jumppad:
0x0: {  	(pc) =	sbr.rel $0x88, $3  }
0x1: {  	(tag) =	ssettag $0x0;
	lr =	simm.s32 $0x1  }
0x2: {  	[smem:$0x3F9C] =	sst lr;
	_ =	strace $0xD0000000  }
0x3: {  	_ = 	snop  }
0x4: {  	_ = 	snop  }
0x5: {  	_ = 	snop  }
0x6: {  	_ = 	snop  }
0x7: {  	_ = 	snop  }
__scs_overlays_trampoline_lowered:
0x8: {  	[smem:$0x3FAB] =	sst s0  }
0x9: {  	[smem:$0x3FAC] =	sst s1  }
0xa: {  	[smem:$0x3FAD] =	sst s2  }
0xb: {  	[smem:$0x3FAE] =	sst s3  }
0xc: {  	[smem:$0x3FAF] =	sst s4  }
0xd: {  	[smem:$0x3FB0] =	sst s5  }
0xe: {  	[smem:$0x3FB1] =	sst s6  }
0xf: {  	[smem:$0x3FB2] =	sst s7  }
0x10: {  	[smem:$0x3FB3] =	sst s8  }
0x11: {  	[smem:$0x3FB4] =	sst s9;
	s0 =	simm.s32 @!p0 $0x0  }
0x12: {  	s1 =	sld [smem:$0x3F9A];
	s0 =	simm.s32 @p0 $0x1  }
0x13: {  	[smem:$0x3FB5] =	sst s0;
	s0 =	simm.s32 @!p1 $0x0  }
0x14: {  	s2 =	sld [smem:$0x3F99];
	s0 =	simm.s32 @p1 $0x1  }
0x15: {  	[smem:$0x3FB6] =	sst s0;
	s0 =	simm.s32 @!p2 $0x0  }
0x16: {  	s3 =	sld [smem:$0x3FDB];
	s0 =	simm.s32 @p2 $0x1  }
0x17: {  	s4 =	simm.s32 $0x1BF5;
	[smem:$0x3FB8] =	sst s0  }
0x18: {  	s0 =	sld [smem:$0x3F9B];
	_ =	swait.ge [sflag:s4], $0x0  }
0x19: {  	s7 =	sld [smem:$0x3F9C]  }
0x1a: {  	s8 =	sadd.s32 $0xFFFFE003, lr  }
0x1b: {  	s9 =	sadd.s32 $0xFFFFFEF7, lr;
	s5 =	simm.s32 $0xFFFFFFFF;
	p2 =	slt.u32 s8, $0xFFFFF086  }
0x1c: {  	p1 =	slt.u32 s9, $0xF7A;
	s5 =	simm.s32 @!p2 $0x0  }
0x1d: {  	s5 =	simm.s32 @p1 $0x1;
	p0 =	seq.s32 s7, s2  }
0x1e: {  	s7 =	smul.u32 @!p0 $0xF7A, s2;
	p2 =	seq.s32 @!p0 s5, $0x0  }
0x1f: {  	s9 =	smul.u32 $0xF7A, s1;
	s8 =	simm.s32 @!p0 $0x1BF5;
	p2 =	por !p2, p0  }
0x20: {  	[sflag:s8] =	ssyncset.s32 @!p0 $0xFFFFF086;
	s6 =	sadd.s32 @!p0 s3, s7;
	s7 =	simm.s32 @!p0 $0x108  }
0x21: {  	s3 =	sadd.s32 s3, s9;
	s6 =	sadd.s32 @!p0 $0x88, s6;
	s7 =	simm.s32 @p2 $0x1082  }
0x22: {  	[simem:s7], [sflag:s8] =	dma.local @!p0 [hbm:s6], $0xF7A  }
0x23: {  	s9 =	sor.u32 $0xD0000000, s2;
	s6 =	simm.s32 $0x108;
	_ =	swait.ge @!p0 [sflag:s8], $0x0  }
0x24: {  	s3 =	sadd.s32 $0x88, s3;
	s6 =	simm.s32 @!p1 $0x1082;
	[sflag:s4] =	ssyncset.s32 $0xFFFFF086  }
0x25: {  	[simem:s6], [sflag:s4] =	dma.local [hbm:s3], $0xF7A  }
0x26: {  	[smem:$0x3F9C] =	sst s1;
	(tag) =	ssettag s2;
	_ =	strace s9  }
0x27: {  	s1 =	sld [smem:$0x3FAC]  }
0x28: {  	s2 =	sld [smem:$0x3FAD]  }
0x29: {  	s4 =	sld [smem:$0x3FAF]  }
0x2a: {  	p0 =	seq.s32 s5, $0x0;
	s5 =	sld [smem:$0x3FB0]  }
0x2b: {  	s6 =	sld [smem:$0x3FB1]  }
0x2c: {  	s7 =	sld [smem:$0x3FB2]  }
0x2d: {  	s3 =	simm.s32 $0x108;
	s8 =	sld [smem:$0x3FB3]  }
0x2e: {  	s3 =	simm.s32 @!p0 $0x1082;
	s9 =	sld [smem:$0x3FB4]  }
0x2f: {  	lr =	sadd.s32 s0, s3;
	s0 =	sld [smem:$0x3FAB]  }
0x30: {  	s3 =	sld [smem:$0x3FAE]  }
0x31: {  	[smem:$0x3FB7] =	sst s10  }
0x32: {  	s10 =	sld [smem:$0x3FB5];
	_ =	sdelay $0x3  }
0x33: {  	p0 =	seq.s32 s10, $0x1;
	s10 =	sld [smem:$0x3FB7];
	_ =	sdelay $0x3  }
0x34: {  	[smem:$0x3FB7] =	sst s10  }
0x35: {  	s10 =	sld [smem:$0x3FB6];
	_ =	sdelay $0x3  }
0x36: {  	p1 =	seq.s32 s10, $0x1;
	s10 =	sld [smem:$0x3FB7];
	_ =	sdelay $0x3  }
0x37: {  	[smem:$0x3FB7] =	sst s10  }
0x38: {  	s10 =	sld [smem:$0x3FB8]  }
0x39: {  	_ = 	snop;
	(pc) =	sbr.ind lr, $3  }
0x3a: {  	_ = 	snop  }
0x3b: {  	_ = 	snop  }
0x3c: {  	p2 =	seq.s32 s10, $0x1;
	s10 =	sld [smem:$0x3FB7]  }
0x3d: {  	_ =	shalt  }
0x3e: {  	_ =	shalt  }
0x3f: {  	_ =	shalt  }
0x40: {  	_ =	shalt  }
0x41: {  	_ =	shalt  }
0x42: {  	_ =	shalt  }
0x43: {  	_ =	shalt  }
0x44: {  	_ =	shalt  }
0x45: {  	_ =	shalt  }
0x46: {  	_ =	shalt  }
0x47: {  	_ =	shalt  }
0x48: {  	_ =	shalt  }
0x49: {  	_ =	shalt  }
0x4a: {  	_ =	shalt  }
0x4b: {  	_ =	shalt  }
0x4c: {  	_ =	shalt  }
0x4d: {  	_ =	shalt  }
0x4e: {  	_ =	shalt  }
0x4f: {  	_ =	shalt  }
0x50: {  	_ =	shalt  }
0x51: {  	_ =	shalt  }
0x52: {  	_ =	shalt  }
0x53: {  	_ =	shalt  }
0x54: {  	_ =	shalt  }
0x55: {  	_ =	shalt  }
0x56: {  	_ =	shalt  }
0x57: {  	_ =	shalt  }
0x58: {  	_ =	shalt  }
0x59: {  	_ =	shalt  }
0x5a: {  	_ =	shalt  }
0x5b: {  	_ =	shalt  }
0x5c: {  	_ =	shalt  }
0x5d: {  	_ =	shalt  }
0x5e: {  	_ =	shalt  }
0x5f: {  	_ =	shalt  }
0x60: {  	_ =	shalt  }
0x61: {  	_ =	shalt  }
0x62: {  	_ =	shalt  }
0x63: {  	_ =	shalt  }
0x64: {  	_ =	shalt  }
0x65: {  	_ =	shalt  }
0x66: {  	_ =	shalt  }
0x67: {  	_ =	shalt  }
0x68: {  	_ =	shalt  }
0x69: {  	_ =	shalt  }
0x6a: {  	_ =	shalt  }
0x6b: {  	_ =	shalt  }
0x6c: {  	_ =	shalt  }
0x6d: {  	_ =	shalt  }
0x6e: {  	_ =	shalt  }
0x6f: {  	_ =	shalt  }
0x70: {  	_ =	shalt  }
0x71: {  	_ =	shalt  }
0x72: {  	_ =	shalt  }
0x73: {  	_ =	shalt  }
0x74: {  	_ =	shalt  }
0x75: {  	_ =	shalt  }
0x76: {  	_ =	shalt  }
0x77: {  	_ =	shalt  }
0x78: {  	_ =	shalt  }
0x79: {  	_ =	shalt  }
0x7a: {  	_ =	shalt  }
0x7b: {  	_ =	shalt  }
0x7c: {  	_ =	shalt  }
0x7d: {  	_ =	shalt  }
0x7e: {  	_ =	shalt  }
0x7f: {  	_ =	shalt  }
0x80: {  	_ =	shalt  }
0x81: {  	_ =	shalt  }
0x82: {  	_ =	shalt  }
0x83: {  	_ =	shalt  }
0x84: {  	_ =	shalt  }
0x85: {  	_ =	shalt  }
0x86: {  	_ =	shalt  }
0x87: {  	_ =	shalt  }
.Lfunc_end0:
.L_simem_size_0:
called_computation_lowered:
.L_overlay_start_0:
0x88: {  	s2 =	sld [smem:$0x3FD9]  }
0x89: {  	s3 =	sld [smem:$0x3FFE];
	_ =	sdelay $0x1  }
0x8a: {  	s1 =	srdreg.scid  }
0x8b: {  	s0 =	sand.u32 $0x1, s1  }
0x8c: {  	s17 =	sshll.u32 s0, $0xA;
	s2 =	sadd.s32 s3, s2  }
0x8d: {  	s2 =	sadd.s32 s2, s17  }
0x8e: {  	[smem:$0x3FC3] =	sst s2  }
0x8f: {  	_ = 	snop  }
0x90: {  	s2 =	sld [smem:$0x3FC9]  }
0x91: {  	s18 =	sld [smem:$0x3FC6]  }
0x92: {  	s4 =	sld [smem:$0x3FC5];
	(tm) =	ssettm $0x1  }
0x93: {  	s5 =	sld [smem:$0x3FFB];
	_ =	sdelay $0x3  }
0x94: {  	_ =	strace s5  }
0x95: {  	s5 =	sld [smem:$0x3FFC];
	_ =	sdelay $0x3  }
0x96: {  	_ =	strace s5  }
0x97: {  	s5 =	sld [smem:$0x3FFD];
	_ =	sdelay $0x3  }
0x98: {  	_ =	strace s5  }
0x99: {  	_ =	strace $0x8FFFFFFF  }
0x9a: {  	s19 =	sld [smem:$0x3FDB];
	_ =	sdelay $0x1  }
0x9b: {  	s6 =	simm.s32 $_scs_section_size  }
0x9c: {  	s7 =	simm.s32 $_size__tile_overlayer_lowered;
	s8 =	simm.s32 $_tile_overlayer_lowered  }
0x9d: {  	s22 =	simm.s32 $0x1BFF;
	s21 =	sshll.u32 s8, $0x1;
	s5 =	sadd.s32 s6, s19  }
0x9e: {  	s9 =	simm.s32 $0x0;
	s20 =	sshll.u32 s7, $0x1;
	s7 =	sadd.s32 s21, s5  }
0x9f: {  	[timem:s9], [sflag:s22] =	dma.local [hbm:s7], s20  }
0xa0: {  	_ =	swait.ge [sflag:s22], s20  }
0xa1: {  	s6 =	ssub.s32 $0x0, s20;
	[sflag:s22] =	ssyncset.done $0x0  }
0xa2: {  	[sflag:s22] =	ssyncadd.s32 s6;
	_ =	sdelay $0x1  }
0xa3: {  	s23 =	simm.s32 $0x1B8B  }
0xa4: {  	_ =	swait.ge [sflag:s23], $0x1  }
0xa5: {  	[sflag:s23] =	ssyncset.done $0x0  }
0xa6: {  	s25 =	simm.s32 $0x1B8E;
	s24 =	sld [smem:$0x3FFE];
	[sflag:s23] =	ssyncadd.s32 $0xFFFFFFFF  }
0xa7: {  	s26 =	simm.s32 $execute0_lowered;
	[smem:$0x3FD2] =	sst s25  }
0xa8: {  	s7 =	sshll.u32 s26, $0x1;
	_ =	strace $0x80000046;
	[dreg:$0x1] =	wrdreg $0xFFFFFFFF  }
0xa9: {  	s28 =	simm.s32 $_size_execute0_lowered;
	s5 =	sadd.s32 s5, s7;
	[dreg:$0x0] =	wrdreg $0x0  }
0xaa: {  	s7 =	sshll.u32 s28, $0x1;
	[dreg:$0x2] =	wrdreg s5  }
0xab: {  	[dreg:$0x3] =	wrdreg s7  }
0xac: {  	[dreg:$0x4] =	wrdreg $0xC0  }
0xad: {  	_ =	task [dreg:s9], $0x5FFFF  }
0xae: {  	[dreg:$0x1] =	wrdreg $0xFFFFFFFF  }
0xaf: {  	[dreg:$0x0] =	wrdreg $0x60  }
0xb0: {  	[dreg:$0x2] =	wrdreg s2  }
0xb1: {  	[dreg:$0x3] =	wrdreg s18  }
0xb2: {  	[dreg:$0x4] =	wrdreg s4  }
0xb3: {  	[dreg:$0x5] =	wrdreg s24  }
0xb4: {  	[dreg:$0x6] =	wrdreg $0x9  }
0xb5: {  	_ =	task.clear_ibuf [dreg:s9], $0x7FFFF;
	_ =	strace $0x90000046  }
0xb6: {  	s29 =	simm.s32 $0x9;
	_ =	strace $0x80000048  }
0xb7: {  	_ =	swait.ge [sflag:s29], $0x1  }
0xb8: {  	[sflag:s29] =	ssyncadd.s32 $0xFFFFFFFF  }
0xb9: {  	_ =	strace $0x90000048  }
0xba: {  	_ =	sfence  }
0xbb: {  	s30 =	sld [smem:$0x0];
	_ =	sdelay $0x2  }
0xbc: {  	s31 =	sshll.u32 s1, $0xD;
	s1 =	sshrl.u32 s1, $0x2  }
0xbd: {  	s3 =	sand.u32 $0x4000, s31;
	s1 =	sadd.s32 s1, s30  }
0xbe: {  	s0 =	sor.u32 s3, s0;
	s1 =	sshll.u32 s1, $0x11  }
0xbf: {  	s0 =	sor.u32 s1, s0  }
0xc0: {  	s0 =	sadd.s32 $0x8F2B, s0  }
0xc1: {  	[sflag:s0] =	ssyncadd.remote.s32 $0x1  }
0xc2: {  	_ =	sfence.sel $0xFFFF  }
0xc3: {  	[dreg:$0x0] =	wrdreg $0xFFFFFFFF;
	(pc) =	sbr.abs _section_cstart, $3  }
0xc4: {  	[dreg:$0x1] =	wrdreg $0xFFFFFFFF  }
0xc5: {  	_ =	task.clear_ibuf [dreg:s9], $0x2FFFF;
	_ =	strace $0x9FFFFFFF  }
0xc6: {  	(tm) =	ssettm $0x7FFFFFFF  }
0xc7: {  	_ =	shalt  }
tec
execute0_lowered:
.L_overlay_start_1:
0x0: {  	(tag) =	ssettag $0x1  }
0x1: {  	s1 =	rddreg [dreg:$0x0]  }
0x2: {  	s0 =	rddreg [dreg:$0x1]  }
0x3: {  	s4 =	rddreg [dreg:$0x2]  }
0x4: {  	s5 =	rddreg [dreg:$0x3]  }
0x5: {  	s3 =	simm.s32 $0x0;
	s6 =	srdreg.scid;
	s2 =	stileid.u32  }
0x6: {  	s12 =	simm.s32 $0x400;
	s13 =	simm.s32 $0x1;
	s14 =	simm.s32 $0x80  }
0x7: {  	s15 =	simm.s32 $0x8400;
	s16 =	simm.s32 $0x4400;
	s17 =	simm.s32 $0x10400  }
0x8: {  	s18 =	simm.s32 $0xC400;
	s19 =	simm.s32 $0x2;
	s20 =	simm.s32 $0x3  }
0x9: {  	s21 =	simm.s32 $0x4;
	s22 =	simm.s32 $0x6;
	s23 =	simm.s32 $0x5  }
0xa: {  	s24 =	simm.s32 $0x0;
	[smem:$0x7FF] =	sst s3;
	s7 =	sand.u32 $0x1, s6  }
0xb: {  	s8 =	sshll.u32 s2, $0xB;
	s10 =	sshll.u32 s2, $0xF;
	_ =	strace $0x80000047  }
0xc: {  	s6 =	ssub.s32 $0x2, s7;
	s9 =	sshll.u32 s7, $0xA;
	s30 =	sadd.s32 s10, s5  }
0xd: {  	s7 =	sshll.u32 s7, $0xE;
	s10 =	simm.s32 $0x2000;
	s11 =	sshrl.u32 s6, $0x1  }
0xe: {  	s8 =	sor.u32 s9, s8;
	s9 =	sadd.s32 $0x80E00, s30;
	s6 =	ssub.s32 s6, s11  }
0xf: {  	s31 =	sshrl.u32 s8, $0x3;
	s4 =	sadd.s32 s4, s8;
	s8 =	sadd.s32 $0xE00, s30  }
0x10: {  	s11 =	simm.s32 $0x40000;
	s5 =	sadd.s32 s0, s31;
	s6 =	smax.u32 s6, $0x1  }
.LBB2_1:
0x11: {  	[tilespmem:s12], [sflag:$0x1] =	stream.strided.gather [hbm4b:s4+s10], $0x4000, s11, s10, $0x38;
	[tilespmem:$0x14400] =	vst v63  }
0x12: {  	_ = 	snop  }
0x13: {  	[tilespmem:s3], [sflag:$0x1] =	stream.linear.gather [hbm4b:s5+s3], $0x400, $0x38;
	[tilespmem:$0x14400] =	vst v63  }
0x14: {  	_ =	swait.ge [sflag:s13], $0x4000  }
0x15: {  	[sflag:s13] =	ssyncset.done $0x0  }
0x16: {  	[sflag:s13] =	ssyncadd.s32 $0xFFFFC000  }
0x17: {  	_ =	swait.ge [sflag:s13], $0x400  }
0x18: {  	[sflag:s13] =	ssyncset.done $0x0  }
0x19: {  	s0 =	simm.s32 $0x400;
	[sflag:s13] =	ssyncadd.s32 $0xFFFFFC00  }
0x1a: {  	[tilespmem:s15], [sflag:$0x2] =	stream.indirect.gather [hbm4b:s1+s14], $0x80, s0, s14, $0xb8;
	[tilespmem:$0x14400] =	vst v63  }
0x1b: {  	s26 =	simm.s32 $0x0  }
0x1c: {  	[tilespmem:s16], [sflag:$0x4] =	stream.indirect.gather [hbm4b:s1+s14], $0x80, s26, s14, $0xb8;
	[tilespmem:$0x14400] =	vst v63  }
0x1d: {  	s29 =	simm.s32 $0x800  }
0x1e: {  	[tilespmem:s17], [sflag:$0x3] =	stream.indirect.gather [hbm4b:s1+s14], $0x80, s29, s14, $0xb8;
	[tilespmem:$0x14400] =	vst v63  }
0x1f: {  	_ = 	snop  }
0x20: {  	[tilespmem:s18], [sflag:$0x5] =	stream.indirect.gather [hbm4b:s1+s14], $0x80, s14, s14, $0xb8;
	[tilespmem:$0x14400] =	vst v63  }
0x21: {  	_ =	swait.ge [sflag:s19], $0x4000  }
0x22: {  	[sflag:s19] =	ssyncset.done $0x0  }
0x23: {  	s30 =	simm.s32 $0x480;
	[sflag:s19] =	ssyncadd.s32 $0xFFFFC000  }
0x24: {  	[tilespmem:s15], [sflag:$0x2] =	stream.indirect.gather.add.f32 [hbm:s1], $0x80, s30, s14, $0xb8;
	[tilespmem:$0x14400] =	vst v63  }
0x25: {  	s2 =	simm.s32 $0x500  }
0x26: {  	[tilespmem:s15], [sflag:$0x2] =	stream.indirect.gather.add.f32 [hbm:s1], $0x80, s2, s14, $0xb8;
	[tilespmem:$0x14400] =	vst v63  }
0x27: {  	s25 =	simm.s32 $0x580  }
0x28: {  	[tilespmem:s15], [sflag:$0x2] =	stream.indirect.gather.add.f32 [hbm:s1], $0x80, s25, s14, $0xb8;
	[tilespmem:$0x14400] =	vst v63  }
0x29: {  	s26 =	simm.s32 $0x600  }
0x2a: {  	[tilespmem:s15], [sflag:$0x2] =	stream.indirect.gather.add.f32 [hbm:s1], $0x80, s26, s14, $0xb8;
	[tilespmem:$0x14400] =	vst v63  }
0x2b: {  	s29 =	simm.s32 $0x680  }
0x2c: {  	[tilespmem:s15], [sflag:$0x2] =	stream.indirect.gather.add.f32 [hbm:s1], $0x80, s29, s14, $0xb8;
	[tilespmem:$0x14400] =	vst v63  }
0x2d: {  	s30 =	simm.s32 $0x700  }
0x2e: {  	[tilespmem:s15], [sflag:$0x2] =	stream.indirect.gather.add.f32 [hbm:s1], $0x80, s30, s14, $0xb8;
	[tilespmem:$0x14400] =	vst v63  }
0x2f: {  	s2 =	simm.s32 $0x780  }
0x30: {  	[tilespmem:s15], [sflag:$0x2] =	stream.indirect.gather.add.f32 [hbm:s1], $0x80, s2, s14, $0xb8;
	[tilespmem:$0x14400] =	vst v63  }
0x31: {  	s25 =	simm.s32 $0x2400  }
0x32: {  	[tilespmem:s15], [sflag:$0x2] =	stream.indirect.gather.add.f32 [hbm:s1], $0x80, s25, s14, $0xb8;
	[tilespmem:$0x14400] =	vst v63  }
0x33: {  	s26 =	simm.s32 $0x2480  }
0x34: {  	[tilespmem:s15], [sflag:$0x2] =	stream.indirect.gather.add.f32 [hbm:s1], $0x80, s26, s14, $0xb8;
	[tilespmem:$0x14400] =	vst v63  }
0x35: {  	s29 =	simm.s32 $0x2500  }
0x36: {  	[tilespmem:s15], [sflag:$0x2] =	stream.indirect.gather.add.f32 [hbm:s1], $0x80, s29, s14, $0xb8;
	[tilespmem:$0x14400] =	vst v63  }
0x37: {  	s30 =	simm.s32 $0x2580  }
0x38: {  	[tilespmem:s15], [sflag:$0x2] =	stream.indirect.gather.add.f32 [hbm:s1], $0x80, s30, s14, $0xb8;
	[tilespmem:$0x14400] =	vst v63  }
0x39: {  	s2 =	simm.s32 $0x2600  }
0x3a: {  	[tilespmem:s15], [sflag:$0x2] =	stream.indirect.gather.add.f32 [hbm:s1], $0x80, s2, s14, $0xb8;
	[tilespmem:$0x14400] =	vst v63  }
0x3b: {  	s25 =	simm.s32 $0x2680  }
0x3c: {  	[tilespmem:s15], [sflag:$0x2] =	stream.indirect.gather.add.f32 [hbm:s1], $0x80, s25, s14, $0xb8;
	[tilespmem:$0x14400] =	vst v63  }
0x3d: {  	s26 =	simm.s32 $0x2700  }
0x3e: {  	[tilespmem:s15], [sflag:$0x2] =	stream.indirect.gather.add.f32 [hbm:s1], $0x80, s26, s14, $0xb8;
	[tilespmem:$0x14400] =	vst v63  }
0x3f: {  	s29 =	simm.s32 $0x2780  }
0x40: {  	[tilespmem:s15], [sflag:$0x2] =	stream.indirect.gather.add.f32 [hbm:s1], $0x80, s29, s14, $0xb8;
	[tilespmem:$0x14400] =	vst v63  }
0x41: {  	_ =	swait.ge [sflag:s20], $0x4000  }
0x42: {  	[sflag:s20] =	ssyncset.done $0x0  }
0x43: {  	s30 =	simm.s32 $0x880;
	[sflag:s20] =	ssyncadd.s32 $0xFFFFC000  }
0x44: {  	[tilespmem:s17], [sflag:$0x3] =	stream.indirect.gather.add.f32 [hbm:s1], $0x80, s30, s14, $0xb8;
	[tilespmem:$0x14400] =	vst v63  }
0x45: {  	s2 =	simm.s32 $0x900  }
0x46: {  	[tilespmem:s17], [sflag:$0x3] =	stream.indirect.gather.add.f32 [hbm:s1], $0x80, s2, s14, $0xb8;
	[tilespmem:$0x14400] =	vst v63  }
0x47: {  	s25 =	simm.s32 $0x980  }
0x48: {  	[tilespmem:s17], [sflag:$0x3] =	stream.indirect.gather.add.f32 [hbm:s1], $0x80, s25, s14, $0xb8;
	[tilespmem:$0x14400] =	vst v63  }
0x49: {  	s26 =	simm.s32 $0xA00  }
0x4a: {  	[tilespmem:s17], [sflag:$0x3] =	stream.indirect.gather.add.f32 [hbm:s1], $0x80, s26, s14, $0xb8;
	[tilespmem:$0x14400] =	vst v63  }
0x4b: {  	s29 =	simm.s32 $0xA80  }
0x4c: {  	[tilespmem:s17], [sflag:$0x3] =	stream.indirect.gather.add.f32 [hbm:s1], $0x80, s29, s14, $0xb8;
	[tilespmem:$0x14400] =	vst v63  }
0x4d: {  	s30 =	simm.s32 $0xB00  }
0x4e: {  	[tilespmem:s17], [sflag:$0x3] =	stream.indirect.gather.add.f32 [hbm:s1], $0x80, s30, s14, $0xb8;
	[tilespmem:$0x14400] =	vst v63  }
0x4f: {  	s2 =	simm.s32 $0xB80  }
0x50: {  	[tilespmem:s17], [sflag:$0x3] =	stream.indirect.gather.add.f32 [hbm:s1], $0x80, s2, s14, $0xb8;
	[tilespmem:$0x14400] =	vst v63  }
0x51: {  	s25 =	simm.s32 $0x2800  }
0x52: {  	[tilespmem:s17], [sflag:$0x3] =	stream.indirect.gather.add.f32 [hbm:s1], $0x80, s25, s14, $0xb8;
	[tilespmem:$0x14400] =	vst v63  }
0x53: {  	s26 =	simm.s32 $0x2880  }
0x54: {  	[tilespmem:s17], [sflag:$0x3] =	stream.indirect.gather.add.f32 [hbm:s1], $0x80, s26, s14, $0xb8;
	[tilespmem:$0x14400] =	vst v63  }
0x55: {  	s29 =	simm.s32 $0x2900  }
0x56: {  	[tilespmem:s17], [sflag:$0x3] =	stream.indirect.gather.add.f32 [hbm:s1], $0x80, s29, s14, $0xb8;
	[tilespmem:$0x14400] =	vst v63  }
0x57: {  	s30 =	simm.s32 $0x2980  }
0x58: {  	[tilespmem:s17], [sflag:$0x3] =	stream.indirect.gather.add.f32 [hbm:s1], $0x80, s30, s14, $0xb8;
	[tilespmem:$0x14400] =	vst v63  }
0x59: {  	s2 =	simm.s32 $0x2A00  }
0x5a: {  	[tilespmem:s17], [sflag:$0x3] =	stream.indirect.gather.add.f32 [hbm:s1], $0x80, s2, s14, $0xb8;
	[tilespmem:$0x14400] =	vst v63  }
0x5b: {  	s25 =	simm.s32 $0x2A80  }
0x5c: {  	[tilespmem:s17], [sflag:$0x3] =	stream.indirect.gather.add.f32 [hbm:s1], $0x80, s25, s14, $0xb8;
	[tilespmem:$0x14400] =	vst v63  }
0x5d: {  	s26 =	simm.s32 $0x2B00  }
0x5e: {  	[tilespmem:s17], [sflag:$0x3] =	stream.indirect.gather.add.f32 [hbm:s1], $0x80, s26, s14, $0xb8;
	[tilespmem:$0x14400] =	vst v63  }
0x5f: {  	s29 =	simm.s32 $0x2B80  }
0x60: {  	[tilespmem:s17], [sflag:$0x3] =	stream.indirect.gather.add.f32 [hbm:s1], $0x80, s29, s14, $0xb8;
	[tilespmem:$0x14400] =	vst v63  }
0x61: {  	_ =	swait.ge [sflag:s21], $0x4000  }
0x62: {  	[sflag:s21] =	ssyncset.done $0x0  }
0x63: {  	s30 =	sadd.s32 s8, s7;
	[sflag:s21] =	ssyncadd.s32 $0xFFFFC000  }
0x64: {  	[hbm4b:s30+s3] =	stream.linear.scatter [tilespmem:s16], [sflag:$0x6], $0x4000, $0x38;
	[tilespmem:$0x14400] =	vst v63  }
0x65: {  	_ =	swait.ge [sflag:s22], $0x4000  }
0x66: {  	[sflag:s22] =	ssyncset.done $0x0  }
0x67: {  	[sflag:s22] =	ssyncadd.s32 $0xFFFFC000  }
0x68: {  	_ =	swait.ge [sflag:s19], $0x4000  }
0x69: {  	[sflag:s19] =	ssyncset.done $0x0  }
0x6a: {  	[sflag:s19] =	ssyncadd.s32 $0xFFFFC000  }
0x6b: {  	_ =	swait.ge [sflag:s19], $0x4000  }
0x6c: {  	[sflag:s19] =	ssyncset.done $0x0  }
0x6d: {  	[sflag:s19] =	ssyncadd.s32 $0xFFFFC000  }
0x6e: {  	_ =	swait.ge [sflag:s19], $0x4000  }
0x6f: {  	[sflag:s19] =	ssyncset.done $0x0  }
0x70: {  	[sflag:s19] =	ssyncadd.s32 $0xFFFFC000  }
0x71: {  	_ =	swait.ge [sflag:s19], $0x4000  }
0x72: {  	[sflag:s19] =	ssyncset.done $0x0  }
0x73: {  	[sflag:s19] =	ssyncadd.s32 $0xFFFFC000  }
0x74: {  	_ =	swait.ge [sflag:s19], $0x4000  }
0x75: {  	[sflag:s19] =	ssyncset.done $0x0  }
0x76: {  	[sflag:s19] =	ssyncadd.s32 $0xFFFFC000  }
0x77: {  	_ =	swait.ge [sflag:s19], $0x4000  }
0x78: {  	[sflag:s19] =	ssyncset.done $0x0  }
0x79: {  	[sflag:s19] =	ssyncadd.s32 $0xFFFFC000  }
0x7a: {  	_ =	swait.ge [sflag:s19], $0x4000  }
0x7b: {  	[sflag:s19] =	ssyncset.done $0x0  }
0x7c: {  	[sflag:s19] =	ssyncadd.s32 $0xFFFFC000  }
0x7d: {  	_ =	swait.ge [sflag:s19], $0x4000  }
0x7e: {  	[sflag:s19] =	ssyncset.done $0x0  }
0x7f: {  	[sflag:s19] =	ssyncadd.s32 $0xFFFFC000  }
0x80: {  	_ =	swait.ge [sflag:s19], $0x4000  }
0x81: {  	[sflag:s19] =	ssyncset.done $0x0  }
0x82: {  	[sflag:s19] =	ssyncadd.s32 $0xFFFFC000  }
0x83: {  	_ =	swait.ge [sflag:s19], $0x4000  }
0x84: {  	[sflag:s19] =	ssyncset.done $0x0  }
0x85: {  	[sflag:s19] =	ssyncadd.s32 $0xFFFFC000  }
0x86: {  	_ =	swait.ge [sflag:s19], $0x4000  }
0x87: {  	[sflag:s19] =	ssyncset.done $0x0  }
0x88: {  	[sflag:s19] =	ssyncadd.s32 $0xFFFFC000  }
0x89: {  	_ =	swait.ge [sflag:s19], $0x4000  }
0x8a: {  	[sflag:s19] =	ssyncset.done $0x0  }
0x8b: {  	[sflag:s19] =	ssyncadd.s32 $0xFFFFC000  }
0x8c: {  	_ =	swait.ge [sflag:s19], $0x4000  }
0x8d: {  	[sflag:s19] =	ssyncset.done $0x0  }
0x8e: {  	[sflag:s19] =	ssyncadd.s32 $0xFFFFC000  }
0x8f: {  	_ =	swait.ge [sflag:s19], $0x4000  }
0x90: {  	[sflag:s19] =	ssyncset.done $0x0  }
0x91: {  	[sflag:s19] =	ssyncadd.s32 $0xFFFFC000  }
0x92: {  	_ =	swait.ge [sflag:s19], $0x4000  }
0x93: {  	[sflag:s19] =	ssyncset.done $0x0  }
0x94: {  	s25 =	sadd.s32 s9, s7;
	[sflag:s19] =	ssyncadd.s32 $0xFFFFC000  }
0x95: {  	[hbm4b:s25+s3] =	stream.linear.scatter [tilespmem:s15], [sflag:$0x6], $0x4000, $0x38;
	[tilespmem:$0x14400] =	vst v63  }
0x96: {  	_ =	swait.ge [sflag:s22], $0x4000  }
0x97: {  	[sflag:s22] =	ssyncset.done $0x0  }
0x98: {  	[sflag:s22] =	ssyncadd.s32 $0xFFFFC000  }
0x99: {  	_ =	swait.ge [sflag:s23], $0x4000  }
0x9a: {  	[sflag:s23] =	ssyncset.done $0x0  }
0x9b: {  	s0 =	sadd.s32 $0x800, s30;
	[sflag:s23] =	ssyncadd.s32 $0xFFFFC000  }
0x9c: {  	[hbm4b:s0+s3] =	stream.linear.scatter [tilespmem:s18], [sflag:$0x6], $0x4000, $0x38;
	[tilespmem:$0x14400] =	vst v63  }
0x9d: {  	_ =	swait.ge [sflag:s22], $0x4000  }
0x9e: {  	[sflag:s22] =	ssyncset.done $0x0  }
0x9f: {  	[sflag:s22] =	ssyncadd.s32 $0xFFFFC000  }
0xa0: {  	_ =	swait.ge [sflag:s20], $0x4000  }
0xa1: {  	[sflag:s20] =	ssyncset.done $0x0  }
0xa2: {  	[sflag:s20] =	ssyncadd.s32 $0xFFFFC000  }
0xa3: {  	_ =	swait.ge [sflag:s20], $0x4000  }
0xa4: {  	[sflag:s20] =	ssyncset.done $0x0  }
0xa5: {  	[sflag:s20] =	ssyncadd.s32 $0xFFFFC000  }
0xa6: {  	_ =	swait.ge [sflag:s20], $0x4000  }
0xa7: {  	[sflag:s20] =	ssyncset.done $0x0  }
0xa8: {  	[sflag:s20] =	ssyncadd.s32 $0xFFFFC000  }
0xa9: {  	_ =	swait.ge [sflag:s20], $0x4000  }
0xaa: {  	[sflag:s20] =	ssyncset.done $0x0  }
0xab: {  	[sflag:s20] =	ssyncadd.s32 $0xFFFFC000  }
0xac: {  	_ =	swait.ge [sflag:s20], $0x4000  }
0xad: {  	[sflag:s20] =	ssyncset.done $0x0  }
0xae: {  	[sflag:s20] =	ssyncadd.s32 $0xFFFFC000  }
0xaf: {  	_ =	swait.ge [sflag:s20], $0x4000  }
0xb0: {  	[sflag:s20] =	ssyncset.done $0x0  }
0xb1: {  	[sflag:s20] =	ssyncadd.s32 $0xFFFFC000  }
0xb2: {  	_ =	swait.ge [sflag:s20], $0x4000  }
0xb3: {  	[sflag:s20] =	ssyncset.done $0x0  }
0xb4: {  	[sflag:s20] =	ssyncadd.s32 $0xFFFFC000  }
0xb5: {  	_ =	swait.ge [sflag:s20], $0x4000  }
0xb6: {  	[sflag:s20] =	ssyncset.done $0x0  }
0xb7: {  	[sflag:s20] =	ssyncadd.s32 $0xFFFFC000  }
0xb8: {  	_ =	swait.ge [sflag:s20], $0x4000  }
0xb9: {  	[sflag:s20] =	ssyncset.done $0x0  }
0xba: {  	[sflag:s20] =	ssyncadd.s32 $0xFFFFC000  }
0xbb: {  	_ =	swait.ge [sflag:s20], $0x4000  }
0xbc: {  	[sflag:s20] =	ssyncset.done $0x0  }
0xbd: {  	[sflag:s20] =	ssyncadd.s32 $0xFFFFC000  }
0xbe: {  	_ =	swait.ge [sflag:s20], $0x4000  }
0xbf: {  	[sflag:s20] =	ssyncset.done $0x0  }
0xc0: {  	[sflag:s20] =	ssyncadd.s32 $0xFFFFC000  }
0xc1: {  	_ =	swait.ge [sflag:s20], $0x4000  }
0xc2: {  	[sflag:s20] =	ssyncset.done $0x0  }
0xc3: {  	[sflag:s20] =	ssyncadd.s32 $0xFFFFC000  }
0xc4: {  	_ =	swait.ge [sflag:s20], $0x4000  }
0xc5: {  	[sflag:s20] =	ssyncset.done $0x0  }
0xc6: {  	[sflag:s20] =	ssyncadd.s32 $0xFFFFC000  }
0xc7: {  	_ =	swait.ge [sflag:s20], $0x4000  }
0xc8: {  	[sflag:s20] =	ssyncset.done $0x0  }
0xc9: {  	[sflag:s20] =	ssyncadd.s32 $0xFFFFC000  }
0xca: {  	_ =	swait.ge [sflag:s20], $0x4000  }
0xcb: {  	[sflag:s20] =	ssyncset.done $0x0  }
0xcc: {  	s28 =	simm.s32 $0x180;
	s25 =	sadd.s32 $0x800, s25;
	[sflag:s20] =	ssyncadd.s32 $0xFFFFC000  }
0xcd: {  	[hbm4b:s25+s3] =	stream.linear.scatter [tilespmem:s17], [sflag:$0x6], $0x4000, $0x38;
	[tilespmem:$0x14400] =	vst v63  }
0xce: {  	s31 =	simm.s32 $0x800;
	s26 =	sadd.s32 $0x1000, s8;
	_ =	swait.ge [sflag:s22], $0x4000  }
0xcf: {  	s0 =	simm.s32 $0x4000;
	s25 =	sadd.s32 $0x1000, s9;
	[sflag:s22] =	ssyncset.done $0x0  }
.LBB2_2:
0xd0: {  	s2 =	sadd.s32 $0x400, s31  }
0xd1: {  	[sflag:s22] =	ssyncadd.s32 $0xFFFFC000;
	s30 =	smov.u32 s0;
	s29 =	sadd.s32 $0x2000, s0  }
0xd2: {  	[tilespmem:s15], [sflag:$0x2] =	stream.indirect.gather [hbm4b:s1+s14], $0x80, s2, s14, $0xb8;
	[tilespmem:$0x14400] =	vst v63  }
0xd3: {  	p0 =	sne.s32 s0, $0x6000;
	s0 =	sadd.s32 $0xFFFFFF80, s28  }
0xd4: {  	[tilespmem:s16], [sflag:$0x4] =	stream.indirect.gather [hbm4b:s1+s14], $0x80, s0, s14, $0xb8;
	[tilespmem:$0x14400] =	vst v63  }
0xd5: {  	s0 =	sadd.s32 $0x800, s31  }
0xd6: {  	[tilespmem:s17], [sflag:$0x3] =	stream.indirect.gather [hbm4b:s1+s14], $0x80, s0, s14, $0xb8;
	[tilespmem:$0x14400] =	vst v63  }
0xd7: {  	_ = 	snop  }
0xd8: {  	[tilespmem:s18], [sflag:$0x5] =	stream.indirect.gather [hbm4b:s1+s14], $0x80, s28, s14, $0xb8;
	[tilespmem:$0x14400] =	vst v63  }
0xd9: {  	_ =	swait.ge [sflag:s19], $0x4000  }
0xda: {  	[sflag:s19] =	ssyncset.done $0x0  }
0xdb: {  	s0 =	sadd.s32 $0x480, s31;
	[sflag:s19] =	ssyncadd.s32 $0xFFFFC000  }
0xdc: {  	[tilespmem:s15], [sflag:$0x2] =	stream.indirect.gather.add.f32 [hbm:s1], $0x80, s0, s14, $0xb8;
	[tilespmem:$0x14400] =	vst v63  }
0xdd: {  	s0 =	sadd.s32 $0x500, s31  }
0xde: {  	[tilespmem:s15], [sflag:$0x2] =	stream.indirect.gather.add.f32 [hbm:s1], $0x80, s0, s14, $0xb8;
	[tilespmem:$0x14400] =	vst v63  }
0xdf: {  	s0 =	sadd.s32 $0x580, s31  }
0xe0: {  	[tilespmem:s15], [sflag:$0x2] =	stream.indirect.gather.add.f32 [hbm:s1], $0x80, s0, s14, $0xb8;
	[tilespmem:$0x14400] =	vst v63  }
0xe1: {  	s0 =	sadd.s32 $0x600, s31  }
0xe2: {  	[tilespmem:s15], [sflag:$0x2] =	stream.indirect.gather.add.f32 [hbm:s1], $0x80, s0, s14, $0xb8;
	[tilespmem:$0x14400] =	vst v63  }
0xe3: {  	s0 =	sadd.s32 $0x680, s31  }
0xe4: {  	[tilespmem:s15], [sflag:$0x2] =	stream.indirect.gather.add.f32 [hbm:s1], $0x80, s0, s14, $0xb8;
	[tilespmem:$0x14400] =	vst v63  }
0xe5: {  	s0 =	sadd.s32 $0x700, s31  }
0xe6: {  	[tilespmem:s15], [sflag:$0x2] =	stream.indirect.gather.add.f32 [hbm:s1], $0x80, s0, s14, $0xb8;
	[tilespmem:$0x14400] =	vst v63  }
0xe7: {  	s0 =	sadd.s32 $0x780, s31  }
0xe8: {  	[tilespmem:s15], [sflag:$0x2] =	stream.indirect.gather.add.f32 [hbm:s1], $0x80, s0, s14, $0xb8;
	[tilespmem:$0x14400] =	vst v63  }
0xe9: {  	s0 =	sadd.s32 $0x2400, s31  }
0xea: {  	[tilespmem:s15], [sflag:$0x2] =	stream.indirect.gather.add.f32 [hbm:s1], $0x80, s0, s14, $0xb8;
	[tilespmem:$0x14400] =	vst v63  }
0xeb: {  	s0 =	sadd.s32 $0x2480, s31  }
0xec: {  	[tilespmem:s15], [sflag:$0x2] =	stream.indirect.gather.add.f32 [hbm:s1], $0x80, s0, s14, $0xb8;
	[tilespmem:$0x14400] =	vst v63  }
0xed: {  	s0 =	sadd.s32 $0x2500, s31  }
0xee: {  	[tilespmem:s15], [sflag:$0x2] =	stream.indirect.gather.add.f32 [hbm:s1], $0x80, s0, s14, $0xb8;
	[tilespmem:$0x14400] =	vst v63  }
0xef: {  	s0 =	sadd.s32 $0x2580, s31  }
0xf0: {  	[tilespmem:s15], [sflag:$0x2] =	stream.indirect.gather.add.f32 [hbm:s1], $0x80, s0, s14, $0xb8;
	[tilespmem:$0x14400] =	vst v63  }
0xf1: {  	s0 =	sadd.s32 $0x2600, s31  }
0xf2: {  	[tilespmem:s15], [sflag:$0x2] =	stream.indirect.gather.add.f32 [hbm:s1], $0x80, s0, s14, $0xb8;
	[tilespmem:$0x14400] =	vst v63  }
0xf3: {  	s0 =	sadd.s32 $0x2680, s31  }
0xf4: {  	[tilespmem:s15], [sflag:$0x2] =	stream.indirect.gather.add.f32 [hbm:s1], $0x80, s0, s14, $0xb8;
	[tilespmem:$0x14400] =	vst v63  }
0xf5: {  	s0 =	sadd.s32 $0x2700, s31  }
0xf6: {  	[tilespmem:s15], [sflag:$0x2] =	stream.indirect.gather.add.f32 [hbm:s1], $0x80, s0, s14, $0xb8;
	[tilespmem:$0x14400] =	vst v63  }
0xf7: {  	s0 =	sadd.s32 $0x2780, s31  }
0xf8: {  	[tilespmem:s15], [sflag:$0x2] =	stream.indirect.gather.add.f32 [hbm:s1], $0x80, s0, s14, $0xb8;
	[tilespmem:$0x14400] =	vst v63  }
0xf9: {  	_ =	swait.ge [sflag:s20], $0x4000  }
0xfa: {  	[sflag:s20] =	ssyncset.done $0x0  }
0xfb: {  	s0 =	sadd.s32 $0x880, s31;
	[sflag:s20] =	ssyncadd.s32 $0xFFFFC000  }
0xfc: {  	[tilespmem:s17], [sflag:$0x3] =	stream.indirect.gather.add.f32 [hbm:s1], $0x80, s0, s14, $0xb8;
	[tilespmem:$0x14400] =	vst v63  }
0xfd: {  	s0 =	sadd.s32 $0x900, s31  }
0xfe: {  	[tilespmem:s17], [sflag:$0x3] =	stream.indirect.gather.add.f32 [hbm:s1], $0x80, s0, s14, $0xb8;
	[tilespmem:$0x14400] =	vst v63  }
0xff: {  	s0 =	sadd.s32 $0x980, s31  }
0x100: {  	[tilespmem:s17], [sflag:$0x3] =	stream.indirect.gather.add.f32 [hbm:s1], $0x80, s0, s14, $0xb8;
	[tilespmem:$0x14400] =	vst v63  }
0x101: {  	s0 =	sadd.s32 $0xA00, s31  }
0x102: {  	[tilespmem:s17], [sflag:$0x3] =	stream.indirect.gather.add.f32 [hbm:s1], $0x80, s0, s14, $0xb8;
	[tilespmem:$0x14400] =	vst v63  }
0x103: {  	s0 =	sadd.s32 $0xA80, s31  }
0x104: {  	[tilespmem:s17], [sflag:$0x3] =	stream.indirect.gather.add.f32 [hbm:s1], $0x80, s0, s14, $0xb8;
	[tilespmem:$0x14400] =	vst v63  }
0x105: {  	s0 =	sadd.s32 $0xB00, s31  }
0x106: {  	[tilespmem:s17], [sflag:$0x3] =	stream.indirect.gather.add.f32 [hbm:s1], $0x80, s0, s14, $0xb8;
	[tilespmem:$0x14400] =	vst v63  }
0x107: {  	s0 =	sadd.s32 $0xB80, s31  }
0x108: {  	[tilespmem:s17], [sflag:$0x3] =	stream.indirect.gather.add.f32 [hbm:s1], $0x80, s0, s14, $0xb8;
	[tilespmem:$0x14400] =	vst v63  }
0x109: {  	s0 =	sadd.s32 $0x2800, s31  }
0x10a: {  	[tilespmem:s17], [sflag:$0x3] =	stream.indirect.gather.add.f32 [hbm:s1], $0x80, s0, s14, $0xb8;
	[tilespmem:$0x14400] =	vst v63  }
0x10b: {  	s0 =	sadd.s32 $0x2880, s31  }
0x10c: {  	[tilespmem:s17], [sflag:$0x3] =	stream.indirect.gather.add.f32 [hbm:s1], $0x80, s0, s14, $0xb8;
	[tilespmem:$0x14400] =	vst v63  }
0x10d: {  	s0 =	sadd.s32 $0x2900, s31  }
0x10e: {  	[tilespmem:s17], [sflag:$0x3] =	stream.indirect.gather.add.f32 [hbm:s1], $0x80, s0, s14, $0xb8;
	[tilespmem:$0x14400] =	vst v63  }
0x10f: {  	s0 =	sadd.s32 $0x2980, s31  }
0x110: {  	[tilespmem:s17], [sflag:$0x3] =	stream.indirect.gather.add.f32 [hbm:s1], $0x80, s0, s14, $0xb8;
	[tilespmem:$0x14400] =	vst v63  }
0x111: {  	s0 =	sadd.s32 $0x2A00, s31  }
0x112: {  	[tilespmem:s17], [sflag:$0x3] =	stream.indirect.gather.add.f32 [hbm:s1], $0x80, s0, s14, $0xb8;
	[tilespmem:$0x14400] =	vst v63  }
0x113: {  	s0 =	sadd.s32 $0x2A80, s31  }
0x114: {  	[tilespmem:s17], [sflag:$0x3] =	stream.indirect.gather.add.f32 [hbm:s1], $0x80, s0, s14, $0xb8;
	[tilespmem:$0x14400] =	vst v63  }
0x115: {  	s0 =	sadd.s32 $0x2B00, s31  }
0x116: {  	[tilespmem:s17], [sflag:$0x3] =	stream.indirect.gather.add.f32 [hbm:s1], $0x80, s0, s14, $0xb8;
	[tilespmem:$0x14400] =	vst v63  }
0x117: {  	s0 =	sadd.s32 $0x2B80, s31  }
0x118: {  	[tilespmem:s17], [sflag:$0x3] =	stream.indirect.gather.add.f32 [hbm:s1], $0x80, s0, s14, $0xb8;
	[tilespmem:$0x14400] =	vst v63  }
0x119: {  	_ =	swait.ge [sflag:s21], $0x4000  }
0x11a: {  	[sflag:s21] =	ssyncset.done $0x0  }
0x11b: {  	s31 =	sadd.s32 s26, s7;
	[sflag:s21] =	ssyncadd.s32 $0xFFFFC000  }
0x11c: {  	[hbm4b:s31+s3] =	stream.linear.scatter [tilespmem:s16], [sflag:$0x6], $0x4000, $0x38;
	[tilespmem:$0x14400] =	vst v63  }
0x11d: {  	_ =	swait.ge [sflag:s22], $0x4000  }
0x11e: {  	[sflag:s22] =	ssyncset.done $0x0  }
0x11f: {  	[sflag:s22] =	ssyncadd.s32 $0xFFFFC000  }
0x120: {  	_ =	swait.ge [sflag:s19], $0x4000  }
0x121: {  	[sflag:s19] =	ssyncset.done $0x0  }
0x122: {  	[sflag:s19] =	ssyncadd.s32 $0xFFFFC000  }
0x123: {  	_ =	swait.ge [sflag:s19], $0x4000  }
0x124: {  	[sflag:s19] =	ssyncset.done $0x0  }
0x125: {  	[sflag:s19] =	ssyncadd.s32 $0xFFFFC000  }
0x126: {  	_ =	swait.ge [sflag:s19], $0x4000  }
0x127: {  	[sflag:s19] =	ssyncset.done $0x0  }
0x128: {  	[sflag:s19] =	ssyncadd.s32 $0xFFFFC000  }
0x129: {  	_ =	swait.ge [sflag:s19], $0x4000  }
0x12a: {  	[sflag:s19] =	ssyncset.done $0x0  }
0x12b: {  	[sflag:s19] =	ssyncadd.s32 $0xFFFFC000  }
0x12c: {  	_ =	swait.ge [sflag:s19], $0x4000  }
0x12d: {  	[sflag:s19] =	ssyncset.done $0x0  }
0x12e: {  	[sflag:s19] =	ssyncadd.s32 $0xFFFFC000  }
0x12f: {  	_ =	swait.ge [sflag:s19], $0x4000  }
0x130: {  	[sflag:s19] =	ssyncset.done $0x0  }
0x131: {  	[sflag:s19] =	ssyncadd.s32 $0xFFFFC000  }
0x132: {  	_ =	swait.ge [sflag:s19], $0x4000  }
0x133: {  	[sflag:s19] =	ssyncset.done $0x0  }
0x134: {  	[sflag:s19] =	ssyncadd.s32 $0xFFFFC000  }
0x135: {  	_ =	swait.ge [sflag:s19], $0x4000  }
0x136: {  	[sflag:s19] =	ssyncset.done $0x0  }
0x137: {  	[sflag:s19] =	ssyncadd.s32 $0xFFFFC000  }
0x138: {  	_ =	swait.ge [sflag:s19], $0x4000  }
0x139: {  	[sflag:s19] =	ssyncset.done $0x0  }
0x13a: {  	[sflag:s19] =	ssyncadd.s32 $0xFFFFC000  }
0x13b: {  	_ =	swait.ge [sflag:s19], $0x4000  }
0x13c: {  	[sflag:s19] =	ssyncset.done $0x0  }
0x13d: {  	[sflag:s19] =	ssyncadd.s32 $0xFFFFC000  }
0x13e: {  	_ =	swait.ge [sflag:s19], $0x4000  }
0x13f: {  	[sflag:s19] =	ssyncset.done $0x0  }
0x140: {  	[sflag:s19] =	ssyncadd.s32 $0xFFFFC000  }
0x141: {  	_ =	swait.ge [sflag:s19], $0x4000  }
0x142: {  	[sflag:s19] =	ssyncset.done $0x0  }
0x143: {  	[sflag:s19] =	ssyncadd.s32 $0xFFFFC000  }
0x144: {  	_ =	swait.ge [sflag:s19], $0x4000  }
0x145: {  	[sflag:s19] =	ssyncset.done $0x0  }
0x146: {  	[sflag:s19] =	ssyncadd.s32 $0xFFFFC000  }
0x147: {  	_ =	swait.ge [sflag:s19], $0x4000  }
0x148: {  	[sflag:s19] =	ssyncset.done $0x0  }
0x149: {  	[sflag:s19] =	ssyncadd.s32 $0xFFFFC000  }
0x14a: {  	_ =	swait.ge [sflag:s19], $0x4000  }
0x14b: {  	[sflag:s19] =	ssyncset.done $0x0  }
0x14c: {  	s0 =	sadd.s32 s25, s7;
	[sflag:s19] =	ssyncadd.s32 $0xFFFFC000  }
0x14d: {  	[hbm4b:s0+s3] =	stream.linear.scatter [tilespmem:s15], [sflag:$0x6], $0x4000, $0x38;
	[tilespmem:$0x14400] =	vst v63  }
0x14e: {  	_ =	swait.ge [sflag:s22], $0x4000  }
0x14f: {  	[sflag:s22] =	ssyncset.done $0x0  }
0x150: {  	[sflag:s22] =	ssyncadd.s32 $0xFFFFC000  }
0x151: {  	_ =	swait.ge [sflag:s23], $0x4000  }
0x152: {  	[sflag:s23] =	ssyncset.done $0x0  }
0x153: {  	s2 =	sadd.s32 $0x800, s31;
	[sflag:s23] =	ssyncadd.s32 $0xFFFFC000  }
0x154: {  	[hbm4b:s2+s3] =	stream.linear.scatter [tilespmem:s18], [sflag:$0x6], $0x4000, $0x38;
	[tilespmem:$0x14400] =	vst v63  }
0x155: {  	_ =	swait.ge [sflag:s22], $0x4000  }
0x156: {  	[sflag:s22] =	ssyncset.done $0x0  }
0x157: {  	[sflag:s22] =	ssyncadd.s32 $0xFFFFC000  }
0x158: {  	_ =	swait.ge [sflag:s20], $0x4000  }
0x159: {  	[sflag:s20] =	ssyncset.done $0x0  }
0x15a: {  	[sflag:s20] =	ssyncadd.s32 $0xFFFFC000  }
0x15b: {  	_ =	swait.ge [sflag:s20], $0x4000  }
0x15c: {  	[sflag:s20] =	ssyncset.done $0x0  }
0x15d: {  	[sflag:s20] =	ssyncadd.s32 $0xFFFFC000  }
0x15e: {  	_ =	swait.ge [sflag:s20], $0x4000  }
0x15f: {  	[sflag:s20] =	ssyncset.done $0x0  }
0x160: {  	[sflag:s20] =	ssyncadd.s32 $0xFFFFC000  }
0x161: {  	_ =	swait.ge [sflag:s20], $0x4000  }
0x162: {  	[sflag:s20] =	ssyncset.done $0x0  }
0x163: {  	[sflag:s20] =	ssyncadd.s32 $0xFFFFC000  }
0x164: {  	_ =	swait.ge [sflag:s20], $0x4000  }
0x165: {  	[sflag:s20] =	ssyncset.done $0x0  }
0x166: {  	[sflag:s20] =	ssyncadd.s32 $0xFFFFC000  }
0x167: {  	_ =	swait.ge [sflag:s20], $0x4000  }
0x168: {  	[sflag:s20] =	ssyncset.done $0x0  }
0x169: {  	[sflag:s20] =	ssyncadd.s32 $0xFFFFC000  }
0x16a: {  	_ =	swait.ge [sflag:s20], $0x4000  }
0x16b: {  	[sflag:s20] =	ssyncset.done $0x0  }
0x16c: {  	[sflag:s20] =	ssyncadd.s32 $0xFFFFC000  }
0x16d: {  	_ =	swait.ge [sflag:s20], $0x4000  }
0x16e: {  	[sflag:s20] =	ssyncset.done $0x0  }
0x16f: {  	[sflag:s20] =	ssyncadd.s32 $0xFFFFC000  }
0x170: {  	_ =	swait.ge [sflag:s20], $0x4000  }
0x171: {  	[sflag:s20] =	ssyncset.done $0x0  }
0x172: {  	[sflag:s20] =	ssyncadd.s32 $0xFFFFC000  }
0x173: {  	_ =	swait.ge [sflag:s20], $0x4000  }
0x174: {  	[sflag:s20] =	ssyncset.done $0x0  }
0x175: {  	[sflag:s20] =	ssyncadd.s32 $0xFFFFC000  }
0x176: {  	_ =	swait.ge [sflag:s20], $0x4000  }
0x177: {  	[sflag:s20] =	ssyncset.done $0x0  }
0x178: {  	[sflag:s20] =	ssyncadd.s32 $0xFFFFC000  }
0x179: {  	_ =	swait.ge [sflag:s20], $0x4000  }
0x17a: {  	[sflag:s20] =	ssyncset.done $0x0  }
0x17b: {  	[sflag:s20] =	ssyncadd.s32 $0xFFFFC000  }
0x17c: {  	_ =	swait.ge [sflag:s20], $0x4000  }
0x17d: {  	[sflag:s20] =	ssyncset.done $0x0  }
0x17e: {  	[sflag:s20] =	ssyncadd.s32 $0xFFFFC000  }
0x17f: {  	_ =	swait.ge [sflag:s20], $0x4000  }
0x180: {  	[sflag:s20] =	ssyncset.done $0x0  }
0x181: {  	[sflag:s20] =	ssyncadd.s32 $0xFFFFC000  }
0x182: {  	_ =	swait.ge [sflag:s20], $0x4000  }
.Ltmp0:
0x183: {  	[sflag:s20] =	ssyncset.done $0x0;
	(pc) =	sbr.rel @p0 .LBB2_2-.Ltmp0, $4  }
0x184: {  	s28 =	sadd.s32 $0x100, s28;
	s0 =	sadd.s32 $0x800, s0;
	[sflag:s20] =	ssyncadd.s32 $0xFFFFC000  }
0x185: {  	[hbm4b:s0+s3] =	stream.linear.scatter [tilespmem:s17], [sflag:$0x6], $0x4000, $0x38;
	[tilespmem:$0x14400] =	vst v63  }
0x186: {  	s26 =	sadd.s32 $0x1000, s26;
	s25 =	sadd.s32 $0x1000, s25;
	_ =	swait.ge [sflag:s22], $0x4000  }
0x187: {  	s31 =	sshra.s32 s30, $0x2;
	s0 =	smov.u32 s29;
	[sflag:s22] =	ssyncset.done $0x0  }
0x188: {  	s0 =	sadd.s32 $0x400, s31;
	[sflag:s22] =	ssyncadd.s32 $0xFFFFC000  }
0x189: {  	[tilespmem:s15], [sflag:$0x2] =	stream.indirect.gather [hbm4b:s1+s14], $0x80, s0, s14, $0xb8;
	[tilespmem:$0x14400] =	vst v63  }
0x18a: {  	s30 =	sadd.s32 $0xFFFFFF80, s28  }
0x18b: {  	[tilespmem:s16], [sflag:$0x4] =	stream.indirect.gather [hbm4b:s1+s14], $0x80, s30, s14, $0xb8;
	[tilespmem:$0x14400] =	vst v63  }
0x18c: {  	s2 =	sadd.s32 $0x800, s31  }
0x18d: {  	[tilespmem:s17], [sflag:$0x3] =	stream.indirect.gather [hbm4b:s1+s14], $0x80, s2, s14, $0xb8;
	[tilespmem:$0x14400] =	vst v63  }
0x18e: {  	_ = 	snop  }
0x18f: {  	[tilespmem:s18], [sflag:$0x5] =	stream.indirect.gather [hbm4b:s1+s14], $0x80, s28, s14, $0xb8;
	[tilespmem:$0x14400] =	vst v63  }
0x190: {  	_ =	swait.ge [sflag:s19], $0x4000  }
0x191: {  	[sflag:s19] =	ssyncset.done $0x0  }
0x192: {  	s28 =	sadd.s32 $0x480, s31;
	[sflag:s19] =	ssyncadd.s32 $0xFFFFC000  }
0x193: {  	[tilespmem:s15], [sflag:$0x2] =	stream.indirect.gather.add.f32 [hbm:s1], $0x80, s28, s14, $0xb8;
	[tilespmem:$0x14400] =	vst v63  }
0x194: {  	s29 =	sadd.s32 $0x500, s31  }
0x195: {  	[tilespmem:s15], [sflag:$0x2] =	stream.indirect.gather.add.f32 [hbm:s1], $0x80, s29, s14, $0xb8;
	[tilespmem:$0x14400] =	vst v63  }
0x196: {  	s30 =	sadd.s32 $0x580, s31  }
0x197: {  	[tilespmem:s15], [sflag:$0x2] =	stream.indirect.gather.add.f32 [hbm:s1], $0x80, s30, s14, $0xb8;
	[tilespmem:$0x14400] =	vst v63  }
0x198: {  	s2 =	sadd.s32 $0x600, s31  }
0x199: {  	[tilespmem:s15], [sflag:$0x2] =	stream.indirect.gather.add.f32 [hbm:s1], $0x80, s2, s14, $0xb8;
	[tilespmem:$0x14400] =	vst v63  }
0x19a: {  	s28 =	sadd.s32 $0x680, s31  }
0x19b: {  	[tilespmem:s15], [sflag:$0x2] =	stream.indirect.gather.add.f32 [hbm:s1], $0x80, s28, s14, $0xb8;
	[tilespmem:$0x14400] =	vst v63  }
0x19c: {  	s29 =	sadd.s32 $0x700, s31  }
0x19d: {  	[tilespmem:s15], [sflag:$0x2] =	stream.indirect.gather.add.f32 [hbm:s1], $0x80, s29, s14, $0xb8;
	[tilespmem:$0x14400] =	vst v63  }
0x19e: {  	s30 =	sadd.s32 $0x780, s31  }
0x19f: {  	[tilespmem:s15], [sflag:$0x2] =	stream.indirect.gather.add.f32 [hbm:s1], $0x80, s30, s14, $0xb8;
	[tilespmem:$0x14400] =	vst v63  }
0x1a0: {  	s2 =	sadd.s32 $0x2400, s31  }
0x1a1: {  	[tilespmem:s15], [sflag:$0x2] =	stream.indirect.gather.add.f32 [hbm:s1], $0x80, s2, s14, $0xb8;
	[tilespmem:$0x14400] =	vst v63  }
0x1a2: {  	s28 =	sadd.s32 $0x2480, s31  }
0x1a3: {  	[tilespmem:s15], [sflag:$0x2] =	stream.indirect.gather.add.f32 [hbm:s1], $0x80, s28, s14, $0xb8;
	[tilespmem:$0x14400] =	vst v63  }
0x1a4: {  	s29 =	sadd.s32 $0x2500, s31  }
0x1a5: {  	[tilespmem:s15], [sflag:$0x2] =	stream.indirect.gather.add.f32 [hbm:s1], $0x80, s29, s14, $0xb8;
	[tilespmem:$0x14400] =	vst v63  }
0x1a6: {  	s30 =	sadd.s32 $0x2580, s31  }
0x1a7: {  	[tilespmem:s15], [sflag:$0x2] =	stream.indirect.gather.add.f32 [hbm:s1], $0x80, s30, s14, $0xb8;
	[tilespmem:$0x14400] =	vst v63  }
0x1a8: {  	s2 =	sadd.s32 $0x2600, s31  }
0x1a9: {  	[tilespmem:s15], [sflag:$0x2] =	stream.indirect.gather.add.f32 [hbm:s1], $0x80, s2, s14, $0xb8;
	[tilespmem:$0x14400] =	vst v63  }
0x1aa: {  	s28 =	sadd.s32 $0x2680, s31  }
0x1ab: {  	[tilespmem:s15], [sflag:$0x2] =	stream.indirect.gather.add.f32 [hbm:s1], $0x80, s28, s14, $0xb8;
	[tilespmem:$0x14400] =	vst v63  }
0x1ac: {  	s29 =	sadd.s32 $0x2700, s31  }
0x1ad: {  	[tilespmem:s15], [sflag:$0x2] =	stream.indirect.gather.add.f32 [hbm:s1], $0x80, s29, s14, $0xb8;
	[tilespmem:$0x14400] =	vst v63  }
0x1ae: {  	s30 =	sadd.s32 $0x2780, s31  }
0x1af: {  	[tilespmem:s15], [sflag:$0x2] =	stream.indirect.gather.add.f32 [hbm:s1], $0x80, s30, s14, $0xb8;
	[tilespmem:$0x14400] =	vst v63  }
0x1b0: {  	_ =	swait.ge [sflag:s20], $0x4000  }
0x1b1: {  	[sflag:s20] =	ssyncset.done $0x0  }
0x1b2: {  	s2 =	sadd.s32 $0x880, s31;
	[sflag:s20] =	ssyncadd.s32 $0xFFFFC000  }
0x1b3: {  	[tilespmem:s17], [sflag:$0x3] =	stream.indirect.gather.add.f32 [hbm:s1], $0x80, s2, s14, $0xb8;
	[tilespmem:$0x14400] =	vst v63  }
0x1b4: {  	s28 =	sadd.s32 $0x900, s31  }
0x1b5: {  	[tilespmem:s17], [sflag:$0x3] =	stream.indirect.gather.add.f32 [hbm:s1], $0x80, s28, s14, $0xb8;
	[tilespmem:$0x14400] =	vst v63  }
0x1b6: {  	s29 =	sadd.s32 $0x980, s31  }
0x1b7: {  	[tilespmem:s17], [sflag:$0x3] =	stream.indirect.gather.add.f32 [hbm:s1], $0x80, s29, s14, $0xb8;
	[tilespmem:$0x14400] =	vst v63  }
0x1b8: {  	s30 =	sadd.s32 $0xA00, s31  }
0x1b9: {  	[tilespmem:s17], [sflag:$0x3] =	stream.indirect.gather.add.f32 [hbm:s1], $0x80, s30, s14, $0xb8;
	[tilespmem:$0x14400] =	vst v63  }
0x1ba: {  	s2 =	sadd.s32 $0xA80, s31  }
0x1bb: {  	[tilespmem:s17], [sflag:$0x3] =	stream.indirect.gather.add.f32 [hbm:s1], $0x80, s2, s14, $0xb8;
	[tilespmem:$0x14400] =	vst v63  }
0x1bc: {  	s28 =	sadd.s32 $0xB00, s31  }
0x1bd: {  	[tilespmem:s17], [sflag:$0x3] =	stream.indirect.gather.add.f32 [hbm:s1], $0x80, s28, s14, $0xb8;
	[tilespmem:$0x14400] =	vst v63  }
0x1be: {  	s29 =	sadd.s32 $0xB80, s31  }
0x1bf: {  	[tilespmem:s17], [sflag:$0x3] =	stream.indirect.gather.add.f32 [hbm:s1], $0x80, s29, s14, $0xb8;
	[tilespmem:$0x14400] =	vst v63  }
0x1c0: {  	s30 =	sadd.s32 $0x2800, s31  }
0x1c1: {  	[tilespmem:s17], [sflag:$0x3] =	stream.indirect.gather.add.f32 [hbm:s1], $0x80, s30, s14, $0xb8;
	[tilespmem:$0x14400] =	vst v63  }
0x1c2: {  	s2 =	sadd.s32 $0x2880, s31  }
0x1c3: {  	[tilespmem:s17], [sflag:$0x3] =	stream.indirect.gather.add.f32 [hbm:s1], $0x80, s2, s14, $0xb8;
	[tilespmem:$0x14400] =	vst v63  }
0x1c4: {  	s28 =	sadd.s32 $0x2900, s31  }
0x1c5: {  	[tilespmem:s17], [sflag:$0x3] =	stream.indirect.gather.add.f32 [hbm:s1], $0x80, s28, s14, $0xb8;
	[tilespmem:$0x14400] =	vst v63  }
0x1c6: {  	s29 =	sadd.s32 $0x2980, s31  }
0x1c7: {  	[tilespmem:s17], [sflag:$0x3] =	stream.indirect.gather.add.f32 [hbm:s1], $0x80, s29, s14, $0xb8;
	[tilespmem:$0x14400] =	vst v63  }
0x1c8: {  	s30 =	sadd.s32 $0x2A00, s31  }
0x1c9: {  	[tilespmem:s17], [sflag:$0x3] =	stream.indirect.gather.add.f32 [hbm:s1], $0x80, s30, s14, $0xb8;
	[tilespmem:$0x14400] =	vst v63  }
0x1ca: {  	s2 =	sadd.s32 $0x2A80, s31  }
0x1cb: {  	[tilespmem:s17], [sflag:$0x3] =	stream.indirect.gather.add.f32 [hbm:s1], $0x80, s2, s14, $0xb8;
	[tilespmem:$0x14400] =	vst v63  }
0x1cc: {  	s28 =	sadd.s32 $0x2B00, s31  }
0x1cd: {  	[tilespmem:s17], [sflag:$0x3] =	stream.indirect.gather.add.f32 [hbm:s1], $0x80, s28, s14, $0xb8;
	[tilespmem:$0x14400] =	vst v63  }
0x1ce: {  	s29 =	sadd.s32 $0x2B80, s31  }
0x1cf: {  	[tilespmem:s17], [sflag:$0x3] =	stream.indirect.gather.add.f32 [hbm:s1], $0x80, s29, s14, $0xb8;
	[tilespmem:$0x14400] =	vst v63  }
0x1d0: {  	_ =	swait.ge [sflag:s21], $0x4000  }
0x1d1: {  	[sflag:s21] =	ssyncset.done $0x0  }
0x1d2: {  	s30 =	sadd.s32 s26, s7;
	[sflag:s21] =	ssyncadd.s32 $0xFFFFC000  }
0x1d3: {  	[hbm4b:s30+s3] =	stream.linear.scatter [tilespmem:s16], [sflag:$0x6], $0x4000, $0x38;
	[tilespmem:$0x14400] =	vst v63  }
0x1d4: {  	_ =	swait.ge [sflag:s22], $0x4000  }
0x1d5: {  	[sflag:s22] =	ssyncset.done $0x0  }
0x1d6: {  	[sflag:s22] =	ssyncadd.s32 $0xFFFFC000  }
0x1d7: {  	_ =	swait.ge [sflag:s19], $0x4000  }
0x1d8: {  	[sflag:s19] =	ssyncset.done $0x0  }
0x1d9: {  	[sflag:s19] =	ssyncadd.s32 $0xFFFFC000  }
0x1da: {  	_ =	swait.ge [sflag:s19], $0x4000  }
0x1db: {  	[sflag:s19] =	ssyncset.done $0x0  }
0x1dc: {  	[sflag:s19] =	ssyncadd.s32 $0xFFFFC000  }
0x1dd: {  	_ =	swait.ge [sflag:s19], $0x4000  }
0x1de: {  	[sflag:s19] =	ssyncset.done $0x0  }
0x1df: {  	[sflag:s19] =	ssyncadd.s32 $0xFFFFC000  }
0x1e0: {  	_ =	swait.ge [sflag:s19], $0x4000  }
0x1e1: {  	[sflag:s19] =	ssyncset.done $0x0  }
0x1e2: {  	[sflag:s19] =	ssyncadd.s32 $0xFFFFC000  }
0x1e3: {  	_ =	swait.ge [sflag:s19], $0x4000  }
0x1e4: {  	[sflag:s19] =	ssyncset.done $0x0  }
0x1e5: {  	[sflag:s19] =	ssyncadd.s32 $0xFFFFC000  }
0x1e6: {  	_ =	swait.ge [sflag:s19], $0x4000  }
0x1e7: {  	[sflag:s19] =	ssyncset.done $0x0  }
0x1e8: {  	[sflag:s19] =	ssyncadd.s32 $0xFFFFC000  }
0x1e9: {  	_ =	swait.ge [sflag:s19], $0x4000  }
0x1ea: {  	[sflag:s19] =	ssyncset.done $0x0  }
0x1eb: {  	[sflag:s19] =	ssyncadd.s32 $0xFFFFC000  }
0x1ec: {  	_ =	swait.ge [sflag:s19], $0x4000  }
0x1ed: {  	[sflag:s19] =	ssyncset.done $0x0  }
0x1ee: {  	[sflag:s19] =	ssyncadd.s32 $0xFFFFC000  }
0x1ef: {  	_ =	swait.ge [sflag:s19], $0x4000  }
0x1f0: {  	[sflag:s19] =	ssyncset.done $0x0  }
0x1f1: {  	[sflag:s19] =	ssyncadd.s32 $0xFFFFC000  }
0x1f2: {  	_ =	swait.ge [sflag:s19], $0x4000  }
0x1f3: {  	[sflag:s19] =	ssyncset.done $0x0  }
0x1f4: {  	[sflag:s19] =	ssyncadd.s32 $0xFFFFC000  }
0x1f5: {  	_ =	swait.ge [sflag:s19], $0x4000  }
0x1f6: {  	[sflag:s19] =	ssyncset.done $0x0  }
0x1f7: {  	[sflag:s19] =	ssyncadd.s32 $0xFFFFC000  }
0x1f8: {  	_ =	swait.ge [sflag:s19], $0x4000  }
0x1f9: {  	[sflag:s19] =	ssyncset.done $0x0  }
0x1fa: {  	[sflag:s19] =	ssyncadd.s32 $0xFFFFC000  }
0x1fb: {  	_ =	swait.ge [sflag:s19], $0x4000  }
0x1fc: {  	[sflag:s19] =	ssyncset.done $0x0  }
0x1fd: {  	[sflag:s19] =	ssyncadd.s32 $0xFFFFC000  }
0x1fe: {  	_ =	swait.ge [sflag:s19], $0x4000  }
0x1ff: {  	[sflag:s19] =	ssyncset.done $0x0  }
0x200: {  	[sflag:s19] =	ssyncadd.s32 $0xFFFFC000  }
0x201: {  	_ =	swait.ge [sflag:s19], $0x4000  }
0x202: {  	[sflag:s19] =	ssyncset.done $0x0  }
0x203: {  	s2 =	sadd.s32 s25, s7;
	[sflag:s19] =	ssyncadd.s32 $0xFFFFC000  }
0x204: {  	[hbm4b:s2+s3] =	stream.linear.scatter [tilespmem:s15], [sflag:$0x6], $0x4000, $0x38;
	[tilespmem:$0x14400] =	vst v63  }
0x205: {  	_ =	swait.ge [sflag:s22], $0x4000  }
0x206: {  	[sflag:s22] =	ssyncset.done $0x0  }
0x207: {  	[sflag:s22] =	ssyncadd.s32 $0xFFFFC000  }
0x208: {  	_ =	swait.ge [sflag:s23], $0x4000  }
0x209: {  	[sflag:s23] =	ssyncset.done $0x0  }
0x20a: {  	s0 =	sadd.s32 $0x800, s30;
	[sflag:s23] =	ssyncadd.s32 $0xFFFFC000  }
0x20b: {  	[hbm4b:s0+s3] =	stream.linear.scatter [tilespmem:s18], [sflag:$0x6], $0x4000, $0x38;
	[tilespmem:$0x14400] =	vst v63  }
0x20c: {  	_ =	swait.ge [sflag:s22], $0x4000  }
0x20d: {  	[sflag:s22] =	ssyncset.done $0x0  }
0x20e: {  	[sflag:s22] =	ssyncadd.s32 $0xFFFFC000  }
0x20f: {  	_ =	swait.ge [sflag:s20], $0x4000  }
0x210: {  	[sflag:s20] =	ssyncset.done $0x0  }
0x211: {  	[sflag:s20] =	ssyncadd.s32 $0xFFFFC000  }
0x212: {  	_ =	swait.ge [sflag:s20], $0x4000  }
0x213: {  	[sflag:s20] =	ssyncset.done $0x0  }
0x214: {  	[sflag:s20] =	ssyncadd.s32 $0xFFFFC000  }
0x215: {  	_ =	swait.ge [sflag:s20], $0x4000  }
0x216: {  	[sflag:s20] =	ssyncset.done $0x0  }
0x217: {  	[sflag:s20] =	ssyncadd.s32 $0xFFFFC000  }
0x218: {  	_ =	swait.ge [sflag:s20], $0x4000  }
0x219: {  	[sflag:s20] =	ssyncset.done $0x0  }
0x21a: {  	[sflag:s20] =	ssyncadd.s32 $0xFFFFC000  }
0x21b: {  	_ =	swait.ge [sflag:s20], $0x4000  }
0x21c: {  	[sflag:s20] =	ssyncset.done $0x0  }
0x21d: {  	[sflag:s20] =	ssyncadd.s32 $0xFFFFC000  }
0x21e: {  	_ =	swait.ge [sflag:s20], $0x4000  }
0x21f: {  	[sflag:s20] =	ssyncset.done $0x0  }
0x220: {  	[sflag:s20] =	ssyncadd.s32 $0xFFFFC000  }
0x221: {  	_ =	swait.ge [sflag:s20], $0x4000  }
0x222: {  	[sflag:s20] =	ssyncset.done $0x0  }
0x223: {  	[sflag:s20] =	ssyncadd.s32 $0xFFFFC000  }
0x224: {  	_ =	swait.ge [sflag:s20], $0x4000  }
0x225: {  	[sflag:s20] =	ssyncset.done $0x0  }
0x226: {  	[sflag:s20] =	ssyncadd.s32 $0xFFFFC000  }
0x227: {  	_ =	swait.ge [sflag:s20], $0x4000  }
0x228: {  	[sflag:s20] =	ssyncset.done $0x0  }
0x229: {  	[sflag:s20] =	ssyncadd.s32 $0xFFFFC000  }
0x22a: {  	_ =	swait.ge [sflag:s20], $0x4000  }
0x22b: {  	[sflag:s20] =	ssyncset.done $0x0  }
0x22c: {  	[sflag:s20] =	ssyncadd.s32 $0xFFFFC000  }
0x22d: {  	_ =	swait.ge [sflag:s20], $0x4000  }
0x22e: {  	[sflag:s20] =	ssyncset.done $0x0  }
0x22f: {  	[sflag:s20] =	ssyncadd.s32 $0xFFFFC000  }
0x230: {  	_ =	swait.ge [sflag:s20], $0x4000  }
0x231: {  	[sflag:s20] =	ssyncset.done $0x0  }
0x232: {  	[sflag:s20] =	ssyncadd.s32 $0xFFFFC000  }
0x233: {  	_ =	swait.ge [sflag:s20], $0x4000  }
0x234: {  	[sflag:s20] =	ssyncset.done $0x0  }
0x235: {  	[sflag:s20] =	ssyncadd.s32 $0xFFFFC000  }
0x236: {  	_ =	swait.ge [sflag:s20], $0x4000  }
0x237: {  	[sflag:s20] =	ssyncset.done $0x0  }
0x238: {  	[sflag:s20] =	ssyncadd.s32 $0xFFFFC000  }
0x239: {  	s24 =	sadd.s32 $0x1, s24;
	_ =	swait.ge [sflag:s20], $0x4000  }
0x23a: {  	p0 =	sne.s32 s24, s6;
	[sflag:s20] =	ssyncset.done $0x0  }
.Ltmp1:
0x23b: {  	s31 =	sadd.s32 $0x800, s2;
	[sflag:s20] =	ssyncadd.s32 $0xFFFFC000;
	(pc) =	sbr.rel @p0 .LBB2_1-.Ltmp1, $4  }
0x23c: {  	[hbm4b:s31+s3] =	stream.linear.scatter [tilespmem:s17], [sflag:$0x6], $0x4000, $0x38;
	[tilespmem:$0x14400] =	vst v63  }
0x23d: {  	_ =	swait.ge [sflag:s22], $0x4000  }
0x23e: {  	[sflag:s22] =	ssyncset.done $0x0  }
0x23f: {  	[sflag:s22] =	ssyncadd.s32 $0xFFFFC000  }
0x240: {  	_ =	sfence.sel $0x180000  }
0x241: {  	[bflag:$0x0] =	sbarrier.arrive $0xFFFF  }
0x242: {  	_ =	strace $0x90000047  }
0x243: {  	s0 =	stileid.u32;
	[bflag:$0x2] =	sbarrier.arrive $0xFFFF  }
0x244: {  	p0 =	sne.s32 s0, $0x0;
	s0 =	rddreg [dreg:$0x4]  }
0x245: {  	s0 =	sadd.s32 @!p0 $0x100000, s0  }
0x246: {  	[sflag:s0] =	ssyncadd.tile.s32 @!p0 $0x1;
	_ =	shalt  }
.Lfunc_end2:
_tile_overlayer_lowered:
.L_overlay_start_2:
0x247: {  	(tag) =	ssettag $0x2  }
0x248: {  	s0 =	rddreg [dreg:$0x0];
	s2 =	stileid.u32  }
0x249: {  	s1 =	rddreg [dreg:$0x1];
	p0 =	sne.s32 s2, $0x0  }
0x24a: {  	s3 =	rddreg [dreg:$0x2];
	[bflag:$0x3] =	sbarrier.arrive $0xFFFF;
	s2 =	simm.s32 @!p0 $0x1C06  }
0x24b: {  	[timem:s3], [sflag:s2] =	dma.local @!p0 [hbm:s0], s1  }
0x24c: {  	s0 =	simm.s32 @!p0 $0x6  }
0x24d: {  	_ =	swait.ge @!p0 [sflag:s0], s1  }
0x24e: {  	s1 =	ssub.s32 @!p0 $0x0, s1;
	[sflag:s0] =	ssyncset.done @!p0 $0x0  }
0x24f: {  	[sflag:s0] =	ssyncadd.s32 @!p0 s1  }
0x250: {  	[bflag:$0x3] =	sbarrier.arrive $0xFFFF  }
0x251: {  	_ =	shalt  }

</sc_bundles>
